<compile_context>
chip_gen: v7x
topology: tpu7x:2x2x1
jax: 0.10.2.dev20260603
libtpu: 0.0.44.dev20260713+nightly
codegen_flags: <defaults>
</compile_context>

<pallas_src>
import functools

import jax
import jax.numpy as jnp
from jax import lax
from jax.experimental import pallas as pl
from jax.experimental.pallas import tpu as pltpu
from jax.experimental.pallas import tpu_sc as plsc

N = 10000
C = 128
K = 32
E = N * K
NC = 2
NS = 16
NW = NC * NS
EW = E // NW
R = 80
NCHUNK = EW // R
NPAIR = (NCHUNK - 1) // 2


def _sc_gather(table, idx3):

    @functools.partial(
        pl.kernel,
        mesh=plsc.VectorSubcoreMesh(core_axis_name="c", subcore_axis_name="s"),
        out_type=jax.ShapeDtypeStruct((E, C), jnp.float32),
        scratch_types=[
            pltpu.VMEM((NCHUNK, R), jnp.int32),
            pltpu.VMEM((R, C), jnp.float32),
            pltpu.VMEM((R, C), jnp.float32),
            pltpu.SemaphoreType.DMA,
            pltpu.SemaphoreType.DMA,
            pltpu.SemaphoreType.DMA,
            pltpu.SemaphoreType.DMA,
        ],
    )
    def gather_kernel(table_hbm, idx_hbm, out_hbm, idx_v, buf0, buf1,
                      sg0, sg1, sw0, sw1):
        wid = lax.axis_index("s") * NC + lax.axis_index("c")
        pltpu.sync_copy(idx_hbm.at[wid], idx_v)
        base = wid * EW

        def fire_gather(c, buf, sem):
            pltpu.async_copy(table_hbm.at[idx_v.at[c]], buf, sem)

        def wait_gather(sem):
            pltpu.make_async_copy(table_hbm.at[idx_v.at[0]], buf0, sem).wait()

        def fire_write(c, buf, sem):
            pltpu.async_copy(buf, out_hbm.at[pl.ds(base + c * R, R)], sem)

        def wait_write(sem):
            pltpu.make_async_copy(buf0, out_hbm.at[pl.ds(base, R)], sem).wait()

        fire_gather(0, buf0, sg0)

        def body(i, carry):
            @pl.when(i > 0)
            def _():
                wait_write(sw1)
            fire_gather(2 * i + 1, buf1, sg1)
            wait_gather(sg0)
            fire_write(2 * i, buf0, sw0)
            wait_write(sw0)
            fire_gather(2 * i + 2, buf0, sg0)
            wait_gather(sg1)
            fire_write(2 * i + 1, buf1, sw1)
            return carry

        lax.fori_loop(0, NPAIR, body, 0)
        wait_write(sw1)
        wait_gather(sg0)
        fire_write(NCHUNK - 1, buf0, sw0)
        wait_write(sw0)

    return gather_kernel(table, idx3)


BN = 200
GRID = N // BN


def _tc_layer_body(g_ref, f_ref, wn_ref, wc_ref, b_ref, o_ref):
    g = g_ref[...]
    f3 = f_ref[...].reshape(BN, 1, C)
    frep = jnp.broadcast_to(f3, (BN, K, C)).reshape(BN * K, C)
    ones = jnp.full((C, C), 1.0, dtype=jnp.float32)
    gw = jnp.dot(g, wn_ref[...], preferred_element_type=jnp.float32)
    cwf = jnp.dot(frep, wc_ref[...], preferred_element_type=jnp.float32) + b_ref[...]
    dots = jnp.dot(g * frep, ones, preferred_element_type=jnp.float32)
    ng = jnp.dot(g * g, ones, preferred_element_type=jnp.float32)
    nf = jnp.dot(frep * frep, ones, preferred_element_type=jnp.float32)
    w = dots * lax.rsqrt(ng * nf)
    out = (gw + cwf) * w
    o_ref[...] = jnp.max(out.reshape(BN, K, C), axis=1)


def _tc_layer(g, feat, wn, wc, b2d):
    return pl.pallas_call(
        _tc_layer_body,
        grid=(GRID,),
        in_specs=[
            pl.BlockSpec((BN * K, C), lambda i: (i, 0)),
            pl.BlockSpec((BN, C), lambda i: (i, 0)),
            pl.BlockSpec((C, C), lambda i: (0, 0)),
            pl.BlockSpec((C, C), lambda i: (0, 0)),
            pl.BlockSpec((1, C), lambda i: (0, 0)),
        ],
        out_specs=pl.BlockSpec((BN, C), lambda i: (i, 0)),
        out_shape=jax.ShapeDtypeStruct((N, C), jnp.float32),
    )(g, feat, wn, wc, b2d)


def kernel(feat_prop, neigh_idx, W1, b1, W2, b2, W3, b3):
    idx3 = neigh_idx.reshape(NW, NCHUNK, R)
    h = feat_prop
    for W, b in ((W1, b1), (W2, b2), (W3, b3)):
        g = _sc_gather(h, idx3)
        h = _tc_layer(g, h, W[:C], W[C:], b.reshape(1, C))
    return h

# --- scband reference (transcript-rebuilt; emitter-appended) ---
"""Pipeline reference for scband-graph-net-prop-76158360093089 (READ-ONLY COPY).

The authoritative reference and input builder live on the scoring server;
editing this copy changes nothing except your own understanding.
"""

import jax, jax.numpy as jnp
import numpy as np

N = 10000
C = 128
H = 128
K = 32

def setup_inputs(seed: int = 0) -> dict:
    key = jax.random.key(seed)
    ks = jax.random.split(key, 8)
    feat_prop = jax.random.normal(ks[0], (N, C), dtype=jnp.float32)
    neigh_idx = jax.random.randint(ks[1], (N * K,), 0, N, dtype=jnp.int32)
    s1 = 1.0 / np.sqrt(2 * C)
    s2 = 1.0 / np.sqrt(2 * H)
    W1 = jax.random.uniform(ks[2], (2 * C, H), dtype=jnp.float32, minval=-s1, maxval=s1)
    b1 = jax.random.uniform(ks[3], (H,), dtype=jnp.float32, minval=-s1, maxval=s1)
    W2 = jax.random.uniform(ks[4], (2 * H, H), dtype=jnp.float32, minval=-s2, maxval=s2)
    b2 = jax.random.uniform(ks[5], (H,), dtype=jnp.float32, minval=-s2, maxval=s2)
    W3 = jax.random.uniform(ks[6], (2 * H, H), dtype=jnp.float32, minval=-s2, maxval=s2)
    b3 = jax.random.uniform(ks[7], (H,), dtype=jnp.float32, minval=-s2, maxval=s2)
    return {"feat_prop": feat_prop, "neigh_idx": neigh_idx, "W1": W1, "b1": b1, "W2": W2, "b2": b2, "W3": W3, "b3": b3}

def _neigh_conv(feat, neigh_idx, W, b):
    n, c = feat.shape
    k = neigh_idx.shape[0] // n
    # gather neighbor features (SparseCore gather)
    feat_neigh = jnp.take(feat, neigh_idx, axis=0)          # [n*k, c]
    f = feat_neigh.reshape(n, k, c)                          # [n, k, c]
    # cosine edge weight: matmul(f_neigh_temp, feat.unsqueeze(2)) / (||f_k|| * ||feat||)
    w = jnp.einsum('nkc,nc->nk', f, feat)                    # [n, k]
    denom1 = jnp.sqrt(jnp.sum(f * f, axis=2))                # [n, k]
    denom2 = jnp.sqrt(jnp.sum(feat * feat, axis=1))[:, None] # [n, 1]
    w = w / (denom1 * denom2)
    # nfeat_mode == 'feat_ctr': concat(neighbor, center)
    ctr = jnp.broadcast_to(feat[:, None, :], (n, k, c))
    cat = jnp.concatenate([f, ctr], axis=-1)                 # [n, k, 2c]
    out = jnp.einsum('nkc,co->nko', cat, W) + b              # mlp
    # edge_weight == 'true'
    out = out * w[:, :, None]
    # agg_type == 'max'
    return jnp.max(out, axis=1)

def reference(feat_prop, neigh_idx, W1, b1, W2, b2, W3, b3):
    h = _neigh_conv(feat_prop, neigh_idx, W1, b1)
    h = _neigh_conv(h, neigh_idx, W2, b2)
    h = _neigh_conv(h, neigh_idx, W3, b3)
    return h

if __name__ == "__main__":
    import jax
    _d = setup_inputs()
    print(jax.jit(kernel)(*tuple(_d.values())))

</pallas_src>

<mosaic_0001>
#map = affine_map<(d0, d1) -> (0, 0)>
#map1 = affine_map<(d0, d1) -> (0, 0, 0)>
module attributes {stable_mosaic.version = 14 : i64} {
  func.func @gather_kernel(%arg0: i32, %arg1: i32, %arg2: memref<10000x128xf32, #tpu.memory_space<hbm>>, %arg3: memref<32x125x80xi32, #tpu.memory_space<hbm>>, %arg4: memref<320000x128xf32, #tpu.memory_space<hbm>>, %arg5: memref<125x80xi32, #tpu.memory_space<vmem>>, %arg6: memref<80x128xf32, #tpu.memory_space<vmem>>, %arg7: memref<80x128xf32, #tpu.memory_space<vmem>>, %arg8: memref<!tpu.dma_semaphore, #tpu.memory_space<semaphore_mem>>, %arg9: memref<!tpu.dma_semaphore, #tpu.memory_space<semaphore_mem>>, %arg10: memref<!tpu.dma_semaphore, #tpu.memory_space<semaphore_mem>>, %arg11: memref<!tpu.dma_semaphore, #tpu.memory_space<semaphore_mem>>) attributes {dimension_semantics = [#tpu.dimension_semantics<core_parallel>, #tpu.dimension_semantics<subcore_parallel>], iteration_bounds = array<i64: 2, 16>, scalar_prefetch = 0 : i64, scratch_operands = 7 : i64, tpu.core_type = #tpu.core_type<sc_vector_subcore>, window_params = [{transform_indices = #map}, {transform_indices = #map1}, {transform_indices = #map}]} {
    %mul3A = arith.constant 2 : i32
    %mul3A_0 = arith.muli %arg1, %mul3A : i32
    %add3A = arith.addi %mul3A_0, %arg0 : i32
    "tpu.region"() ({
      %run_scoped3A = tpu.sem_alloc : memref<!tpu.dma_semaphore, #tpu.memory_space<semaphore_mem>>
      %dma_start3A_34 = arith.constant 0 : i32
      %dma_start3A_35 = arith.constant 0 : i32
      %dma_start3A_36 = tpu.memref_slice %arg3[%add3A, %dma_start3A_34, %dma_start3A_35] : memref<32x125x80xi32, #tpu.memory_space<hbm>> -> memref<1x125x80xi32, #tpu.memory_space<hbm>>
      %dma_start3A_37 = tpu.memref_squeeze %dma_start3A_36 : memref<1x125x80xi32, #tpu.memory_space<hbm>> -> memref<125x80xi32, #tpu.memory_space<hbm>>
      %dma_start3A_38 = arith.constant 0 : i32
      %dma_start3A_39 = arith.constant 0 : i32
      %dma_start3A_40 = tpu.memref_slice %arg3[%add3A, %dma_start3A_38, %dma_start3A_39] : memref<32x125x80xi32, #tpu.memory_space<hbm>> -> memref<1x125x80xi32, #tpu.memory_space<hbm>>
      %dma_start3A_41 = tpu.memref_squeeze %dma_start3A_40 : memref<1x125x80xi32, #tpu.memory_space<hbm>> -> memref<125x80xi32, #tpu.memory_space<hbm>>
      tpu.enqueue_dma source(%dma_start3A_41 : memref<125x80xi32, #tpu.memory_space<hbm>>) target(%arg5 : memref<125x80xi32, #tpu.memory_space<vmem>>) target_semaphore(%run_scoped3A : memref<!tpu.dma_semaphore, #tpu.memory_space<semaphore_mem>>)
      %dma_wait3A_42 = arith.constant 0 : i32
      %dma_wait3A_43 = arith.constant 0 : i32
      %dma_wait3A_44 = tpu.memref_slice %arg3[%add3A, %dma_wait3A_42, %dma_wait3A_43] : memref<32x125x80xi32, #tpu.memory_space<hbm>> -> memref<1x125x80xi32, #tpu.memory_space<hbm>>
      %dma_wait3A_45 = tpu.memref_squeeze %dma_wait3A_44 : memref<1x125x80xi32, #tpu.memory_space<hbm>> -> memref<125x80xi32, #tpu.memory_space<hbm>>
      %dma_wait3A_46 = arith.constant 0 : i32
      %dma_wait3A_47 = arith.constant 0 : i32
      %dma_wait3A_48 = tpu.memref_slice %arg3[%add3A, %dma_wait3A_46, %dma_wait3A_47] : memref<32x125x80xi32, #tpu.memory_space<hbm>> -> memref<1x125x80xi32, #tpu.memory_space<hbm>>
      %dma_wait3A_49 = tpu.memref_squeeze %dma_wait3A_48 : memref<1x125x80xi32, #tpu.memory_space<hbm>> -> memref<125x80xi32, #tpu.memory_space<hbm>>
      tpu.wait_dma2 semaphore(%run_scoped3A : memref<!tpu.dma_semaphore, #tpu.memory_space<semaphore_mem>>) src(%dma_wait3A_49 : memref<125x80xi32, #tpu.memory_space<hbm>>) dst(%arg5 : memref<125x80xi32, #tpu.memory_space<vmem>>)
      tpu.yield
    }) : () -> ()
    %mul3A_1 = arith.constant 10000 : i32
    %mul3A_2 = arith.muli %add3A, %mul3A_1 : i32
    %dma_start3A = arith.constant 0 : i32
    %dma_start3A_3 = arith.constant 0 : i32
    %dma_start3A_4 = tpu.memref_slice %arg5[%dma_start3A, %dma_start3A_3] : memref<125x80xi32, #tpu.memory_space<vmem>> -> memref<1x80xi32, #tpu.memory_space<vmem>>
    %dma_start3A_5 = tpu.memref_squeeze %dma_start3A_4 : memref<1x80xi32, #tpu.memory_space<vmem>> -> memref<80xi32, #tpu.memory_space<vmem>>
    %dma_start3A_6 = arith.constant 0 : i32
    %dma_start3A_7 = arith.constant 0 : i32
    %dma_start3A_8 = tpu.memref_slice %arg2[%dma_start3A_6, %dma_start3A_7] : memref<10000x128xf32, #tpu.memory_space<hbm>> -> memref<10000x128xf32, #tpu.memory_space<hbm>>
    tpu.enqueue_indirect_dma source(%dma_start3A_8 : memref<10000x128xf32, #tpu.memory_space<hbm>>) target(%arg6 : memref<80x128xf32, #tpu.memory_space<vmem>>) offsets(%dma_start3A_5 : memref<80xi32, #tpu.memory_space<vmem>>) semaphore(%arg8 : memref<!tpu.dma_semaphore, #tpu.memory_space<semaphore_mem>>)
    %scan3A = arith.constant 0 : i32
    %scan3A_9 = arith.constant 0 : i32
    %scan3A_10 = arith.constant 62 : i32
    %scan3A_11 = arith.addi %scan3A_9, %scan3A_10 : i32
    %scan3A_12 = arith.constant 1 : i32
    scf.for %scan3A_34 = %scan3A_9 to %scan3A_11 step %scan3A_12  : i32 {
      %gt3A = arith.constant 0 : i32
      %gt3A_35 = arith.cmpi sgt, %scan3A_34, %gt3A : i32
      %convert_element_type3A = arith.extui %gt3A_35 : i1 to i32
      %cond3A = arith.constant 0 : i32
      %cond3A_36 = arith.cmpi ne, %convert_element_type3A, %cond3A : i32
      scf.if %cond3A_36 {
        %dma_wait3A_95 = arith.constant 0 : i32
        %dma_wait3A_96 = tpu.memref_slice %arg4[%mul3A_2, %dma_wait3A_95] : memref<320000x128xf32, #tpu.memory_space<hbm>> -> memref<80x128xf32, #tpu.memory_space<hbm>>
        %dma_wait3A_97 = arith.constant 0 : i32
        %dma_wait3A_98 = tpu.memref_slice %arg4[%mul3A_2, %dma_wait3A_97] : memref<320000x128xf32, #tpu.memory_space<hbm>> -> memref<80x128xf32, #tpu.memory_space<hbm>>
        tpu.wait_dma2 semaphore(%arg11 : memref<!tpu.dma_semaphore, #tpu.memory_space<semaphore_mem>>) src(%arg6 : memref<80x128xf32, #tpu.memory_space<vmem>>) dst(%dma_wait3A_98 : memref<80x128xf32, #tpu.memory_space<hbm>>)
      } else {
      }
      %mul3A_37 = arith.constant 2 : i32
      %mul3A_38 = arith.muli %mul3A_37, %scan3A_34 : i32
      %add3A_39 = arith.constant 1 : i32
      %add3A_40 = arith.addi %mul3A_38, %add3A_39 : i32
      %dma_start3A_41 = arith.constant 0 : i32
      %dma_start3A_42 = tpu.memref_slice %arg5[%add3A_40, %dma_start3A_41] : memref<125x80xi32, #tpu.memory_space<vmem>> -> memref<1x80xi32, #tpu.memory_space<vmem>>
      %dma_start3A_43 = tpu.memref_squeeze %dma_start3A_42 : memref<1x80xi32, #tpu.memory_space<vmem>> -> memref<80xi32, #tpu.memory_space<vmem>>
      %dma_start3A_44 = arith.constant 0 : i32
      %dma_start3A_45 = arith.constant 0 : i32
      %dma_start3A_46 = tpu.memref_slice %arg2[%dma_start3A_44, %dma_start3A_45] : memref<10000x128xf32, #tpu.memory_space<hbm>> -> memref<10000x128xf32, #tpu.memory_space<hbm>>
      tpu.enqueue_indirect_dma source(%dma_start3A_46 : memref<10000x128xf32, #tpu.memory_space<hbm>>) target(%arg7 : memref<80x128xf32, #tpu.memory_space<vmem>>) offsets(%dma_start3A_43 : memref<80xi32, #tpu.memory_space<vmem>>) semaphore(%arg9 : memref<!tpu.dma_semaphore, #tpu.memory_space<semaphore_mem>>)
      %dma_wait3A_47 = arith.constant 0 : i32
      %dma_wait3A_48 = arith.constant 0 : i32
      %dma_wait3A_49 = tpu.memref_slice %arg5[%dma_wait3A_47, %dma_wait3A_48] : memref<125x80xi32, #tpu.memory_space<vmem>> -> memref<1x80xi32, #tpu.memory_space<vmem>>
      %dma_wait3A_50 = tpu.memref_squeeze %dma_wait3A_49 : memref<1x80xi32, #tpu.memory_space<vmem>> -> memref<80xi32, #tpu.memory_space<vmem>>
      %dma_wait3A_51 = arith.constant 0 : i32
      %dma_wait3A_52 = arith.constant 0 : i32
      %dma_wait3A_53 = tpu.memref_slice %arg2[%dma_wait3A_51, %dma_wait3A_52] : memref<10000x128xf32, #tpu.memory_space<hbm>> -> memref<10000x128xf32, #tpu.memory_space<hbm>>
      tpu.wait_indirect_dma semaphore(%arg8 : memref<!tpu.dma_semaphore, #tpu.memory_space<semaphore_mem>>) src(%dma_wait3A_53 : memref<10000x128xf32, #tpu.memory_space<hbm>>) dst(%arg6 : memref<80x128xf32, #tpu.memory_space<vmem>>)
      %mul3A_54 = arith.constant 2 : i32
      %mul3A_55 = arith.muli %mul3A_54, %scan3A_34 : i32
      %mul3A_56 = arith.constant 80 : i32
      %mul3A_57 = arith.muli %mul3A_55, %mul3A_56 : i32
      %add3A_58 = arith.addi %mul3A_2, %mul3A_57 : i32
      %dma_start3A_59 = arith.constant 0 : i32
      %dma_start3A_60 = tpu.memref_slice %arg4[%add3A_58, %dma_start3A_59] : memref<320000x128xf32, #tpu.memory_space<hbm>> -> memref<80x128xf32, #tpu.memory_space<hbm>>
      %dma_start3A_61 = arith.constant 0 : i32
      %dma_start3A_62 = tpu.memref_slice %arg4[%add3A_58, %dma_start3A_61] : memref<320000x128xf32, #tpu.memory_space<hbm>> -> memref<80x128xf32, #tpu.memory_space<hbm>>
      tpu.enqueue_dma source(%arg6 : memref<80x128xf32, #tpu.memory_space<vmem>>) target(%dma_start3A_62 : memref<80x128xf32, #tpu.memory_space<hbm>>) target_semaphore(%arg10 : memref<!tpu.dma_semaphore, #tpu.memory_space<semaphore_mem>>)
      %dma_wait3A_63 = arith.constant 0 : i32
      %dma_wait3A_64 = tpu.memref_slice %arg4[%mul3A_2, %dma_wait3A_63] : memref<320000x128xf32, #tpu.memory_space<hbm>> -> memref<80x128xf32, #tpu.memory_space<hbm>>
      %dma_wait3A_65 = arith.constant 0 : i32
      %dma_wait3A_66 = tpu.memref_slice %arg4[%mul3A_2, %dma_wait3A_65] : memref<320000x128xf32, #tpu.memory_space<hbm>> -> memref<80x128xf32, #tpu.memory_space<hbm>>
      tpu.wait_dma2 semaphore(%arg10 : memref<!tpu.dma_semaphore, #tpu.memory_space<semaphore_mem>>) src(%arg6 : memref<80x128xf32, #tpu.memory_space<vmem>>) dst(%dma_wait3A_66 : memref<80x128xf32, #tpu.memory_space<hbm>>)
      %mul3A_67 = arith.constant 2 : i32
      %mul3A_68 = arith.muli %mul3A_67, %scan3A_34 : i32
      %add3A_69 = arith.constant 2 : i32
      %add3A_70 = arith.addi %mul3A_68, %add3A_69 : i32
      %dma_start3A_71 = arith.constant 0 : i32
      %dma_start3A_72 = tpu.memref_slice %arg5[%add3A_70, %dma_start3A_71] : memref<125x80xi32, #tpu.memory_space<vmem>> -> memref<1x80xi32, #tpu.memory_space<vmem>>
      %dma_start3A_73 = tpu.memref_squeeze %dma_start3A_72 : memref<1x80xi32, #tpu.memory_space<vmem>> -> memref<80xi32, #tpu.memory_space<vmem>>
      %dma_start3A_74 = arith.constant 0 : i32
      %dma_start3A_75 = arith.constant 0 : i32
      %dma_start3A_76 = tpu.memref_slice %arg2[%dma_start3A_74, %dma_start3A_75] : memref<10000x128xf32, #tpu.memory_space<hbm>> -> memref<10000x128xf32, #tpu.memory_space<hbm>>
      tpu.enqueue_indirect_dma source(%dma_start3A_76 : memref<10000x128xf32, #tpu.memory_space<hbm>>) target(%arg6 : memref<80x128xf32, #tpu.memory_space<vmem>>) offsets(%dma_start3A_73 : memref<80xi32, #tpu.memory_space<vmem>>) semaphore(%arg8 : memref<!tpu.dma_semaphore, #tpu.memory_space<semaphore_mem>>)
      %dma_wait3A_77 = arith.constant 0 : i32
      %dma_wait3A_78 = arith.constant 0 : i32
      %dma_wait3A_79 = tpu.memref_slice %arg5[%dma_wait3A_77, %dma_wait3A_78] : memref<125x80xi32, #tpu.memory_space<vmem>> -> memref<1x80xi32, #tpu.memory_space<vmem>>
      %dma_wait3A_80 = tpu.memref_squeeze %dma_wait3A_79 : memref<1x80xi32, #tpu.memory_space<vmem>> -> memref<80xi32, #tpu.memory_space<vmem>>
      %dma_wait3A_81 = arith.constant 0 : i32
      %dma_wait3A_82 = arith.constant 0 : i32
      %dma_wait3A_83 = tpu.memref_slice %arg2[%dma_wait3A_81, %dma_wait3A_82] : memref<10000x128xf32, #tpu.memory_space<hbm>> -> memref<10000x128xf32, #tpu.memory_space<hbm>>
      tpu.wait_indirect_dma semaphore(%arg9 : memref<!tpu.dma_semaphore, #tpu.memory_space<semaphore_mem>>) src(%dma_wait3A_83 : memref<10000x128xf32, #tpu.memory_space<hbm>>) dst(%arg6 : memref<80x128xf32, #tpu.memory_space<vmem>>)
      %mul3A_84 = arith.constant 2 : i32
      %mul3A_85 = arith.muli %mul3A_84, %scan3A_34 : i32
      %add3A_86 = arith.constant 1 : i32
      %add3A_87 = arith.addi %mul3A_85, %add3A_86 : i32
      %mul3A_88 = arith.constant 80 : i32
      %mul3A_89 = arith.muli %add3A_87, %mul3A_88 : i32
      %add3A_90 = arith.addi %mul3A_2, %mul3A_89 : i32
      %dma_start3A_91 = arith.constant 0 : i32
      %dma_start3A_92 = tpu.memref_slice %arg4[%add3A_90, %dma_start3A_91] : memref<320000x128xf32, #tpu.memory_space<hbm>> -> memref<80x128xf32, #tpu.memory_space<hbm>>
      %dma_start3A_93 = arith.constant 0 : i32
      %dma_start3A_94 = tpu.memref_slice %arg4[%add3A_90, %dma_start3A_93] : memref<320000x128xf32, #tpu.memory_space<hbm>> -> memref<80x128xf32, #tpu.memory_space<hbm>>
      tpu.enqueue_dma source(%arg7 : memref<80x128xf32, #tpu.memory_space<vmem>>) target(%dma_start3A_94 : memref<80x128xf32, #tpu.memory_space<hbm>>) target_semaphore(%arg11 : memref<!tpu.dma_semaphore, #tpu.memory_space<semaphore_mem>>)
    }
    %scan3A_13 = arith.constant 62 : i32
    %dma_wait3A = arith.constant 0 : i32
    %dma_wait3A_14 = tpu.memref_slice %arg4[%mul3A_2, %dma_wait3A] : memref<320000x128xf32, #tpu.memory_space<hbm>> -> memref<80x128xf32, #tpu.memory_space<hbm>>
    %dma_wait3A_15 = arith.constant 0 : i32
    %dma_wait3A_16 = tpu.memref_slice %arg4[%mul3A_2, %dma_wait3A_15] : memref<320000x128xf32, #tpu.memory_space<hbm>> -> memref<80x128xf32, #tpu.memory_space<hbm>>
    tpu.wait_dma2 semaphore(%arg11 : memref<!tpu.dma_semaphore, #tpu.memory_space<semaphore_mem>>) src(%arg6 : memref<80x128xf32, #tpu.memory_space<vmem>>) dst(%dma_wait3A_16 : memref<80x128xf32, #tpu.memory_space<hbm>>)
    %dma_wait3A_17 = arith.constant 0 : i32
    %dma_wait3A_18 = arith.constant 0 : i32
    %dma_wait3A_19 = tpu.memref_slice %arg5[%dma_wait3A_17, %dma_wait3A_18] : memref<125x80xi32, #tpu.memory_space<vmem>> -> memref<1x80xi32, #tpu.memory_space<vmem>>
    %dma_wait3A_20 = tpu.memref_squeeze %dma_wait3A_19 : memref<1x80xi32, #tpu.memory_space<vmem>> -> memref<80xi32, #tpu.memory_space<vmem>>
    %dma_wait3A_21 = arith.constant 0 : i32
    %dma_wait3A_22 = arith.constant 0 : i32
    %dma_wait3A_23 = tpu.memref_slice %arg2[%dma_wait3A_21, %dma_wait3A_22] : memref<10000x128xf32, #tpu.memory_space<hbm>> -> memref<10000x128xf32, #tpu.memory_space<hbm>>
    tpu.wait_indirect_dma semaphore(%arg8 : memref<!tpu.dma_semaphore, #tpu.memory_space<semaphore_mem>>) src(%dma_wait3A_23 : memref<10000x128xf32, #tpu.memory_space<hbm>>) dst(%arg6 : memref<80x128xf32, #tpu.memory_space<vmem>>)
    %add3A_24 = arith.constant 9920 : i32
    %add3A_25 = arith.addi %mul3A_2, %add3A_24 : i32
    %dma_start3A_26 = arith.constant 0 : i32
    %dma_start3A_27 = tpu.memref_slice %arg4[%add3A_25, %dma_start3A_26] : memref<320000x128xf32, #tpu.memory_space<hbm>> -> memref<80x128xf32, #tpu.memory_space<hbm>>
    %dma_start3A_28 = arith.constant 0 : i32
    %dma_start3A_29 = tpu.memref_slice %arg4[%add3A_25, %dma_start3A_28] : memref<320000x128xf32, #tpu.memory_space<hbm>> -> memref<80x128xf32, #tpu.memory_space<hbm>>
    tpu.enqueue_dma source(%arg6 : memref<80x128xf32, #tpu.memory_space<vmem>>) target(%dma_start3A_29 : memref<80x128xf32, #tpu.memory_space<hbm>>) target_semaphore(%arg10 : memref<!tpu.dma_semaphore, #tpu.memory_space<semaphore_mem>>)
    %dma_wait3A_30 = arith.constant 0 : i32
    %dma_wait3A_31 = tpu.memref_slice %arg4[%mul3A_2, %dma_wait3A_30] : memref<320000x128xf32, #tpu.memory_space<hbm>> -> memref<80x128xf32, #tpu.memory_space<hbm>>
    %dma_wait3A_32 = arith.constant 0 : i32
    %dma_wait3A_33 = tpu.memref_slice %arg4[%mul3A_2, %dma_wait3A_32] : memref<320000x128xf32, #tpu.memory_space<hbm>> -> memref<80x128xf32, #tpu.memory_space<hbm>>
    tpu.wait_dma2 semaphore(%arg10 : memref<!tpu.dma_semaphore, #tpu.memory_space<semaphore_mem>>) src(%arg6 : memref<80x128xf32, #tpu.memory_space<vmem>>) dst(%dma_wait3A_33 : memref<80x128xf32, #tpu.memory_space<hbm>>)
    return
  }
}

#map = affine_map<(d0, d1) -> (0, 0)>
#map1 = affine_map<(d0, d1) -> (0, 0, 0)>
module attributes {stable_mosaic.version = 14 : i64} {
  func.func @gather_kernel(%arg0: i32, %arg1: i32, %arg2: memref<10000x128xf32, #tpu.memory_space<hbm>>, %arg3: memref<32x125x80xi32, #tpu.memory_space<hbm>>, %arg4: memref<320000x128xf32, #tpu.memory_space<hbm>>, %arg5: memref<125x80xi32, #tpu.memory_space<vmem>>, %arg6: memref<80x128xf32, #tpu.memory_space<vmem>>, %arg7: memref<80x128xf32, #tpu.memory_space<vmem>>, %arg8: memref<!tpu.dma_semaphore, #tpu.memory_space<semaphore_mem>>, %arg9: memref<!tpu.dma_semaphore, #tpu.memory_space<semaphore_mem>>, %arg10: memref<!tpu.dma_semaphore, #tpu.memory_space<semaphore_mem>>, %arg11: memref<!tpu.dma_semaphore, #tpu.memory_space<semaphore_mem>>) attributes {dimension_semantics = [#tpu.dimension_semantics<core_parallel>, #tpu.dimension_semantics<subcore_parallel>], iteration_bounds = array<i64: 2, 16>, scalar_prefetch = 0 : i64, scratch_operands = 7 : i64, tpu.core_type = #tpu.core_type<sc_vector_subcore>, window_params = [{transform_indices = #map}, {transform_indices = #map1}, {transform_indices = #map}]} {
    %mul3A = arith.constant 2 : i32
    %mul3A_0 = arith.muli %arg1, %mul3A : i32
    %add3A = arith.addi %mul3A_0, %arg0 : i32
    "tpu.region"() ({
      %run_scoped3A = tpu.sem_alloc : memref<!tpu.dma_semaphore, #tpu.memory_space<semaphore_mem>>
      %dma_start3A_34 = arith.constant 0 : i32
      %dma_start3A_35 = arith.constant 0 : i32
      %dma_start3A_36 = tpu.memref_slice %arg3[%add3A, %dma_start3A_34, %dma_start3A_35] : memref<32x125x80xi32, #tpu.memory_space<hbm>> -> memref<1x125x80xi32, #tpu.memory_space<hbm>>
      %dma_start3A_37 = tpu.memref_squeeze %dma_start3A_36 : memref<1x125x80xi32, #tpu.memory_space<hbm>> -> memref<125x80xi32, #tpu.memory_space<hbm>>
      %dma_start3A_38 = arith.constant 0 : i32
      %dma_start3A_39 = arith.constant 0 : i32
      %dma_start3A_40 = tpu.memref_slice %arg3[%add3A, %dma_start3A_38, %dma_start3A_39] : memref<32x125x80xi32, #tpu.memory_space<hbm>> -> memref<1x125x80xi32, #tpu.memory_space<hbm>>
      %dma_start3A_41 = tpu.memref_squeeze %dma_start3A_40 : memref<1x125x80xi32, #tpu.memory_space<hbm>> -> memref<125x80xi32, #tpu.memory_space<hbm>>
      tpu.enqueue_dma source(%dma_start3A_41 : memref<125x80xi32, #tpu.memory_space<hbm>>) target(%arg5 : memref<125x80xi32, #tpu.memory_space<vmem>>) target_semaphore(%run_scoped3A : memref<!tpu.dma_semaphore, #tpu.memory_space<semaphore_mem>>)
      %dma_wait3A_42 = arith.constant 0 : i32
      %dma_wait3A_43 = arith.constant 0 : i32
      %dma_wait3A_44 = tpu.memref_slice %arg3[%add3A, %dma_wait3A_42, %dma_wait3A_43] : memref<32x125x80xi32, #tpu.memory_space<hbm>> -> memref<1x125x80xi32, #tpu.memory_space<hbm>>
      %dma_wait3A_45 = tpu.memref_squeeze %dma_wait3A_44 : memref<1x125x80xi32, #tpu.memory_space<hbm>> -> memref<125x80xi32, #tpu.memory_space<hbm>>
      %dma_wait3A_46 = arith.constant 0 : i32
      %dma_wait3A_47 = arith.constant 0 : i32
      %dma_wait3A_48 = tpu.memref_slice %arg3[%add3A, %dma_wait3A_46, %dma_wait3A_47] : memref<32x125x80xi32, #tpu.memory_space<hbm>> -> memref<1x125x80xi32, #tpu.memory_space<hbm>>
      %dma_wait3A_49 = tpu.memref_squeeze %dma_wait3A_48 : memref<1x125x80xi32, #tpu.memory_space<hbm>> -> memref<125x80xi32, #tpu.memory_space<hbm>>
      tpu.wait_dma2 semaphore(%run_scoped3A : memref<!tpu.dma_semaphore, #tpu.memory_space<semaphore_mem>>) src(%dma_wait3A_49 : memref<125x80xi32, #tpu.memory_space<hbm>>) dst(%arg5 : memref<125x80xi32, #tpu.memory_space<vmem>>)
      tpu.yield
    }) : () -> ()
    %mul3A_1 = arith.constant 10000 : i32
    %mul3A_2 = arith.muli %add3A, %mul3A_1 : i32
    %dma_start3A = arith.constant 0 : i32
    %dma_start3A_3 = arith.constant 0 : i32
    %dma_start3A_4 = tpu.memref_slice %arg5[%dma_start3A, %dma_start3A_3] : memref<125x80xi32, #tpu.memory_space<vmem>> -> memref<1x80xi32, #tpu.memory_space<vmem>>
    %dma_start3A_5 = tpu.memref_squeeze %dma_start3A_4 : memref<1x80xi32, #tpu.memory_space<vmem>> -> memref<80xi32, #tpu.memory_space<vmem>>
    %dma_start3A_6 = arith.constant 0 : i32
    %dma_start3A_7 = arith.constant 0 : i32
    %dma_start3A_8 = tpu.memref_slice %arg2[%dma_start3A_6, %dma_start3A_7] : memref<10000x128xf32, #tpu.memory_space<hbm>> -> memref<10000x128xf32, #tpu.memory_space<hbm>>
    tpu.enqueue_indirect_dma source(%dma_start3A_8 : memref<10000x128xf32, #tpu.memory_space<hbm>>) target(%arg6 : memref<80x128xf32, #tpu.memory_space<vmem>>) offsets(%dma_start3A_5 : memref<80xi32, #tpu.memory_space<vmem>>) semaphore(%arg8 : memref<!tpu.dma_semaphore, #tpu.memory_space<semaphore_mem>>)
    %scan3A = arith.constant 0 : i32
    %scan3A_9 = arith.constant 0 : i32
    %scan3A_10 = arith.constant 62 : i32
    %scan3A_11 = arith.addi %scan3A_9, %scan3A_10 : i32
    %scan3A_12 = arith.constant 1 : i32
    scf.for %scan3A_34 = %scan3A_9 to %scan3A_11 step %scan3A_12  : i32 {
      %gt3A = arith.constant 0 : i32
      %gt3A_35 = arith.cmpi sgt, %scan3A_34, %gt3A : i32
      %convert_element_type3A = arith.extui %gt3A_35 : i1 to i32
      %cond3A = arith.constant 0 : i32
      %cond3A_36 = arith.cmpi ne, %convert_element_type3A, %cond3A : i32
      scf.if %cond3A_36 {
        %dma_wait3A_95 = arith.constant 0 : i32
        %dma_wait3A_96 = tpu.memref_slice %arg4[%mul3A_2, %dma_wait3A_95] : memref<320000x128xf32, #tpu.memory_space<hbm>> -> memref<80x128xf32, #tpu.memory_space<hbm>>
        %dma_wait3A_97 = arith.constant 0 : i32
        %dma_wait3A_98 = tpu.memref_slice %arg4[%mul3A_2, %dma_wait3A_97] : memref<320000x128xf32, #tpu.memory_space<hbm>> -> memref<80x128xf32, #tpu.memory_space<hbm>>
        tpu.wait_dma2 semaphore(%arg11 : memref<!tpu.dma_semaphore, #tpu.memory_space<semaphore_mem>>) src(%arg6 : memref<80x128xf32, #tpu.memory_space<vmem>>) dst(%dma_wait3A_98 : memref<80x128xf32, #tpu.memory_space<hbm>>)
      } else {
      }
      %mul3A_37 = arith.constant 2 : i32
      %mul3A_38 = arith.muli %mul3A_37, %scan3A_34 : i32
      %add3A_39 = arith.constant 1 : i32
      %add3A_40 = arith.addi %mul3A_38, %add3A_39 : i32
      %dma_start3A_41 = arith.constant 0 : i32
      %dma_start3A_42 = tpu.memref_slice %arg5[%add3A_40, %dma_start3A_41] : memref<125x80xi32, #tpu.memory_space<vmem>> -> memref<1x80xi32, #tpu.memory_space<vmem>>
      %dma_start3A_43 = tpu.memref_squeeze %dma_start3A_42 : memref<1x80xi32, #tpu.memory_space<vmem>> -> memref<80xi32, #tpu.memory_space<vmem>>
      %dma_start3A_44 = arith.constant 0 : i32
      %dma_start3A_45 = arith.constant 0 : i32
      %dma_start3A_46 = tpu.memref_slice %arg2[%dma_start3A_44, %dma_start3A_45] : memref<10000x128xf32, #tpu.memory_space<hbm>> -> memref<10000x128xf32, #tpu.memory_space<hbm>>
      tpu.enqueue_indirect_dma source(%dma_start3A_46 : memref<10000x128xf32, #tpu.memory_space<hbm>>) target(%arg7 : memref<80x128xf32, #tpu.memory_space<vmem>>) offsets(%dma_start3A_43 : memref<80xi32, #tpu.memory_space<vmem>>) semaphore(%arg9 : memref<!tpu.dma_semaphore, #tpu.memory_space<semaphore_mem>>)
      %dma_wait3A_47 = arith.constant 0 : i32
      %dma_wait3A_48 = arith.constant 0 : i32
      %dma_wait3A_49 = tpu.memref_slice %arg5[%dma_wait3A_47, %dma_wait3A_48] : memref<125x80xi32, #tpu.memory_space<vmem>> -> memref<1x80xi32, #tpu.memory_space<vmem>>
      %dma_wait3A_50 = tpu.memref_squeeze %dma_wait3A_49 : memref<1x80xi32, #tpu.memory_space<vmem>> -> memref<80xi32, #tpu.memory_space<vmem>>
      %dma_wait3A_51 = arith.constant 0 : i32
      %dma_wait3A_52 = arith.constant 0 : i32
      %dma_wait3A_53 = tpu.memref_slice %arg2[%dma_wait3A_51, %dma_wait3A_52] : memref<10000x128xf32, #tpu.memory_space<hbm>> -> memref<10000x128xf32, #tpu.memory_space<hbm>>
      tpu.wait_indirect_dma semaphore(%arg8 : memref<!tpu.dma_semaphore, #tpu.memory_space<semaphore_mem>>) src(%dma_wait3A_53 : memref<10000x128xf32, #tpu.memory_space<hbm>>) dst(%arg6 : memref<80x128xf32, #tpu.memory_space<vmem>>)
      %mul3A_54 = arith.constant 2 : i32
      %mul3A_55 = arith.muli %mul3A_54, %scan3A_34 : i32
      %mul3A_56 = arith.constant 80 : i32
      %mul3A_57 = arith.muli %mul3A_55, %mul3A_56 : i32
      %add3A_58 = arith.addi %mul3A_2, %mul3A_57 : i32
      %dma_start3A_59 = arith.constant 0 : i32
      %dma_start3A_60 = tpu.memref_slice %arg4[%add3A_58, %dma_start3A_59] : memref<320000x128xf32, #tpu.memory_space<hbm>> -> memref<80x128xf32, #tpu.memory_space<hbm>>
      %dma_start3A_61 = arith.constant 0 : i32
      %dma_start3A_62 = tpu.memref_slice %arg4[%add3A_58, %dma_start3A_61] : memref<320000x128xf32, #tpu.memory_space<hbm>> -> memref<80x128xf32, #tpu.memory_space<hbm>>
      tpu.enqueue_dma source(%arg6 : memref<80x128xf32, #tpu.memory_space<vmem>>) target(%dma_start3A_62 : memref<80x128xf32, #tpu.memory_space<hbm>>) target_semaphore(%arg10 : memref<!tpu.dma_semaphore, #tpu.memory_space<semaphore_mem>>)
      %dma_wait3A_63 = arith.constant 0 : i32
      %dma_wait3A_64 = tpu.memref_slice %arg4[%mul3A_2, %dma_wait3A_63] : memref<320000x128xf32, #tpu.memory_space<hbm>> -> memref<80x128xf32, #tpu.memory_space<hbm>>
      %dma_wait3A_65 = arith.constant 0 : i32
      %dma_wait3A_66 = tpu.memref_slice %arg4[%mul3A_2, %dma_wait3A_65] : memref<320000x128xf32, #tpu.memory_space<hbm>> -> memref<80x128xf32, #tpu.memory_space<hbm>>
      tpu.wait_dma2 semaphore(%arg10 : memref<!tpu.dma_semaphore, #tpu.memory_space<semaphore_mem>>) src(%arg6 : memref<80x128xf32, #tpu.memory_space<vmem>>) dst(%dma_wait3A_66 : memref<80x128xf32, #tpu.memory_space<hbm>>)
      %mul3A_67 = arith.constant 2 : i32
      %mul3A_68 = arith.muli %mul3A_67, %scan3A_34 : i32
      %add3A_69 = arith.constant 2 : i32
      %add3A_70 = arith.addi %mul3A_68, %add3A_69 : i32
      %dma_start3A_71 = arith.constant 0 : i32
      %dma_start3A_72 = tpu.memref_slice %arg5[%add3A_70, %dma_start3A_71] : memref<125x80xi32, #tpu.memory_space<vmem>> -> memref<1x80xi32, #tpu.memory_space<vmem>>
      %dma_start3A_73 = tpu.memref_squeeze %dma_start3A_72 : memref<1x80xi32, #tpu.memory_space<vmem>> -> memref<80xi32, #tpu.memory_space<vmem>>
      %dma_start3A_74 = arith.constant 0 : i32
      %dma_start3A_75 = arith.constant 0 : i32
      %dma_start3A_76 = tpu.memref_slice %arg2[%dma_start3A_74, %dma_start3A_75] : memref<10000x128xf32, #tpu.memory_space<hbm>> -> memref<10000x128xf32, #tpu.memory_space<hbm>>
      tpu.enqueue_indirect_dma source(%dma_start3A_76 : memref<10000x128xf32, #tpu.memory_space<hbm>>) target(%arg6 : memref<80x128xf32, #tpu.memory_space<vmem>>) offsets(%dma_start3A_73 : memref<80xi32, #tpu.memory_space<vmem>>) semaphore(%arg8 : memref<!tpu.dma_semaphore, #tpu.memory_space<semaphore_mem>>)
      %dma_wait3A_77 = arith.constant 0 : i32
      %dma_wait3A_78 = arith.constant 0 : i32
      %dma_wait3A_79 = tpu.memref_slice %arg5[%dma_wait3A_77, %dma_wait3A_78] : memref<125x80xi32, #tpu.memory_space<vmem>> -> memref<1x80xi32, #tpu.memory_space<vmem>>
      %dma_wait3A_80 = tpu.memref_squeeze %dma_wait3A_79 : memref<1x80xi32, #tpu.memory_space<vmem>> -> memref<80xi32, #tpu.memory_space<vmem>>
      %dma_wait3A_81 = arith.constant 0 : i32
      %dma_wait3A_82 = arith.constant 0 : i32
      %dma_wait3A_83 = tpu.memref_slice %arg2[%dma_wait3A_81, %dma_wait3A_82] : memref<10000x128xf32, #tpu.memory_space<hbm>> -> memref<10000x128xf32, #tpu.memory_space<hbm>>
      tpu.wait_indirect_dma semaphore(%arg9 : memref<!tpu.dma_semaphore, #tpu.memory_space<semaphore_mem>>) src(%dma_wait3A_83 : memref<10000x128xf32, #tpu.memory_space<hbm>>) dst(%arg6 : memref<80x128xf32, #tpu.memory_space<vmem>>)
      %mul3A_84 = arith.constant 2 : i32
      %mul3A_85 = arith.muli %mul3A_84, %scan3A_34 : i32
      %add3A_86 = arith.constant 1 : i32
      %add3A_87 = arith.addi %mul3A_85, %add3A_86 : i32
      %mul3A_88 = arith.constant 80 : i32
      %mul3A_89 = arith.muli %add3A_87, %mul3A_88 : i32
      %add3A_90 = arith.addi %mul3A_2, %mul3A_89 : i32
      %dma_start3A_91 = arith.constant 0 : i32
      %dma_start3A_92 = tpu.memref_slice %arg4[%add3A_90, %dma_start3A_91] : memref<320000x128xf32, #tpu.memory_space<hbm>> -> memref<80x128xf32, #tpu.memory_space<hbm>>
      %dma_start3A_93 = arith.constant 0 : i32
      %dma_start3A_94 = tpu.memref_slice %arg4[%add3A_90, %dma_start3A_93] : memref<320000x128xf32, #tpu.memory_space<hbm>> -> memref<80x128xf32, #tpu.memory_space<hbm>>
      tpu.enqueue_dma source(%arg7 : memref<80x128xf32, #tpu.memory_space<vmem>>) target(%dma_start3A_94 : memref<80x128xf32, #tpu.memory_space<hbm>>) target_semaphore(%arg11 : memref<!tpu.dma_semaphore, #tpu.memory_space<semaphore_mem>>)
    }
    %scan3A_13 = arith.constant 62 : i32
    %dma_wait3A = arith.constant 0 : i32
    %dma_wait3A_14 = tpu.memref_slice %arg4[%mul3A_2, %dma_wait3A] : memref<320000x128xf32, #tpu.memory_space<hbm>> -> memref<80x128xf32, #tpu.memory_space<hbm>>
    %dma_wait3A_15 = arith.constant 0 : i32
    %dma_wait3A_16 = tpu.memref_slice %arg4[%mul3A_2, %dma_wait3A_15] : memref<320000x128xf32, #tpu.memory_space<hbm>> -> memref<80x128xf32, #tpu.memory_space<hbm>>
    tpu.wait_dma2 semaphore(%arg11 : memref<!tpu.dma_semaphore, #tpu.memory_space<semaphore_mem>>) src(%arg6 : memref<80x128xf32, #tpu.memory_space<vmem>>) dst(%dma_wait3A_16 : memref<80x128xf32, #tpu.memory_space<hbm>>)
    %dma_wait3A_17 = arith.constant 0 : i32
    %dma_wait3A_18 = arith.constant 0 : i32
    %dma_wait3A_19 = tpu.memref_slice %arg5[%dma_wait3A_17, %dma_wait3A_18] : memref<125x80xi32, #tpu.memory_space<vmem>> -> memref<1x80xi32, #tpu.memory_space<vmem>>
    %dma_wait3A_20 = tpu.memref_squeeze %dma_wait3A_19 : memref<1x80xi32, #tpu.memory_space<vmem>> -> memref<80xi32, #tpu.memory_space<vmem>>
    %dma_wait3A_21 = arith.constant 0 : i32
    %dma_wait3A_22 = arith.constant 0 : i32
    %dma_wait3A_23 = tpu.memref_slice %arg2[%dma_wait3A_21, %dma_wait3A_22] : memref<10000x128xf32, #tpu.memory_space<hbm>> -> memref<10000x128xf32, #tpu.memory_space<hbm>>
    tpu.wait_indirect_dma semaphore(%arg8 : memref<!tpu.dma_semaphore, #tpu.memory_space<semaphore_mem>>) src(%dma_wait3A_23 : memref<10000x128xf32, #tpu.memory_space<hbm>>) dst(%arg6 : memref<80x128xf32, #tpu.memory_space<vmem>>)
    %add3A_24 = arith.constant 9920 : i32
    %add3A_25 = arith.addi %mul3A_2, %add3A_24 : i32
    %dma_start3A_26 = arith.constant 0 : i32
    %dma_start3A_27 = tpu.memref_slice %arg4[%add3A_25, %dma_start3A_26] : memref<320000x128xf32, #tpu.memory_space<hbm>> -> memref<80x128xf32, #tpu.memory_space<hbm>>
    %dma_start3A_28 = arith.constant 0 : i32
    %dma_start3A_29 = tpu.memref_slice %arg4[%add3A_25, %dma_start3A_28] : memref<320000x128xf32, #tpu.memory_space<hbm>> -> memref<80x128xf32, #tpu.memory_space<hbm>>
    tpu.enqueue_dma source(%arg6 : memref<80x128xf32, #tpu.memory_space<vmem>>) target(%dma_start3A_29 : memref<80x128xf32, #tpu.memory_space<hbm>>) target_semaphore(%arg10 : memref<!tpu.dma_semaphore, #tpu.memory_space<semaphore_mem>>)
    %dma_wait3A_30 = arith.constant 0 : i32
    %dma_wait3A_31 = tpu.memref_slice %arg4[%mul3A_2, %dma_wait3A_30] : memref<320000x128xf32, #tpu.memory_space<hbm>> -> memref<80x128xf32, #tpu.memory_space<hbm>>
    %dma_wait3A_32 = arith.constant 0 : i32
    %dma_wait3A_33 = tpu.memref_slice %arg4[%mul3A_2, %dma_wait3A_32] : memref<320000x128xf32, #tpu.memory_space<hbm>> -> memref<80x128xf32, #tpu.memory_space<hbm>>
    tpu.wait_dma2 semaphore(%arg10 : memref<!tpu.dma_semaphore, #tpu.memory_space<semaphore_mem>>) src(%arg6 : memref<80x128xf32, #tpu.memory_space<vmem>>) dst(%dma_wait3A_33 : memref<80x128xf32, #tpu.memory_space<hbm>>)
    return
  }
}

#map = affine_map<(d0, d1) -> (0, 0)>
#map1 = affine_map<(d0, d1) -> (0, 0, 0)>
module attributes {stable_mosaic.version = 14 : i64} {
  func.func @gather_kernel(%arg0: i32, %arg1: i32, %arg2: memref<10000x128xf32, #tpu.memory_space<hbm>>, %arg3: memref<32x125x80xi32, #tpu.memory_space<hbm>>, %arg4: memref<320000x128xf32, #tpu.memory_space<hbm>>, %arg5: memref<125x80xi32, #tpu.memory_space<vmem>>, %arg6: memref<80x128xf32, #tpu.memory_space<vmem>>, %arg7: memref<80x128xf32, #tpu.memory_space<vmem>>, %arg8: memref<!tpu.dma_semaphore, #tpu.memory_space<semaphore_mem>>, %arg9: memref<!tpu.dma_semaphore, #tpu.memory_space<semaphore_mem>>, %arg10: memref<!tpu.dma_semaphore, #tpu.memory_space<semaphore_mem>>, %arg11: memref<!tpu.dma_semaphore, #tpu.memory_space<semaphore_mem>>) attributes {dimension_semantics = [#tpu.dimension_semantics<core_parallel>, #tpu.dimension_semantics<subcore_parallel>], iteration_bounds = array<i64: 2, 16>, scalar_prefetch = 0 : i64, scratch_operands = 7 : i64, tpu.core_type = #tpu.core_type<sc_vector_subcore>, window_params = [{transform_indices = #map}, {transform_indices = #map1}, {transform_indices = #map}]} {
    %mul3A = arith.constant 2 : i32
    %mul3A_0 = arith.muli %arg1, %mul3A : i32
    %add3A = arith.addi %mul3A_0, %arg0 : i32
    "tpu.region"() ({
      %run_scoped3A = tpu.sem_alloc : memref<!tpu.dma_semaphore, #tpu.memory_space<semaphore_mem>>
      %dma_start3A_34 = arith.constant 0 : i32
      %dma_start3A_35 = arith.constant 0 : i32
      %dma_start3A_36 = tpu.memref_slice %arg3[%add3A, %dma_start3A_34, %dma_start3A_35] : memref<32x125x80xi32, #tpu.memory_space<hbm>> -> memref<1x125x80xi32, #tpu.memory_space<hbm>>
      %dma_start3A_37 = tpu.memref_squeeze %dma_start3A_36 : memref<1x125x80xi32, #tpu.memory_space<hbm>> -> memref<125x80xi32, #tpu.memory_space<hbm>>
      %dma_start3A_38 = arith.constant 0 : i32
      %dma_start3A_39 = arith.constant 0 : i32
      %dma_start3A_40 = tpu.memref_slice %arg3[%add3A, %dma_start3A_38, %dma_start3A_39] : memref<32x125x80xi32, #tpu.memory_space<hbm>> -> memref<1x125x80xi32, #tpu.memory_space<hbm>>
      %dma_start3A_41 = tpu.memref_squeeze %dma_start3A_40 : memref<1x125x80xi32, #tpu.memory_space<hbm>> -> memref<125x80xi32, #tpu.memory_space<hbm>>
      tpu.enqueue_dma source(%dma_start3A_41 : memref<125x80xi32, #tpu.memory_space<hbm>>) target(%arg5 : memref<125x80xi32, #tpu.memory_space<vmem>>) target_semaphore(%run_scoped3A : memref<!tpu.dma_semaphore, #tpu.memory_space<semaphore_mem>>)
      %dma_wait3A_42 = arith.constant 0 : i32
      %dma_wait3A_43 = arith.constant 0 : i32
      %dma_wait3A_44 = tpu.memref_slice %arg3[%add3A, %dma_wait3A_42, %dma_wait3A_43] : memref<32x125x80xi32, #tpu.memory_space<hbm>> -> memref<1x125x80xi32, #tpu.memory_space<hbm>>
      %dma_wait3A_45 = tpu.memref_squeeze %dma_wait3A_44 : memref<1x125x80xi32, #tpu.memory_space<hbm>> -> memref<125x80xi32, #tpu.memory_space<hbm>>
      %dma_wait3A_46 = arith.constant 0 : i32
      %dma_wait3A_47 = arith.constant 0 : i32
      %dma_wait3A_48 = tpu.memref_slice %arg3[%add3A, %dma_wait3A_46, %dma_wait3A_47] : memref<32x125x80xi32, #tpu.memory_space<hbm>> -> memref<1x125x80xi32, #tpu.memory_space<hbm>>
      %dma_wait3A_49 = tpu.memref_squeeze %dma_wait3A_48 : memref<1x125x80xi32, #tpu.memory_space<hbm>> -> memref<125x80xi32, #tpu.memory_space<hbm>>
      tpu.wait_dma2 semaphore(%run_scoped3A : memref<!tpu.dma_semaphore, #tpu.memory_space<semaphore_mem>>) src(%dma_wait3A_49 : memref<125x80xi32, #tpu.memory_space<hbm>>) dst(%arg5 : memref<125x80xi32, #tpu.memory_space<vmem>>)
      tpu.yield
    }) : () -> ()
    %mul3A_1 = arith.constant 10000 : i32
    %mul3A_2 = arith.muli %add3A, %mul3A_1 : i32
    %dma_start3A = arith.constant 0 : i32
    %dma_start3A_3 = arith.constant 0 : i32
    %dma_start3A_4 = tpu.memref_slice %arg5[%dma_start3A, %dma_start3A_3] : memref<125x80xi32, #tpu.memory_space<vmem>> -> memref<1x80xi32, #tpu.memory_space<vmem>>
    %dma_start3A_5 = tpu.memref_squeeze %dma_start3A_4 : memref<1x80xi32, #tpu.memory_space<vmem>> -> memref<80xi32, #tpu.memory_space<vmem>>
    %dma_start3A_6 = arith.constant 0 : i32
    %dma_start3A_7 = arith.constant 0 : i32
    %dma_start3A_8 = tpu.memref_slice %arg2[%dma_start3A_6, %dma_start3A_7] : memref<10000x128xf32, #tpu.memory_space<hbm>> -> memref<10000x128xf32, #tpu.memory_space<hbm>>
    tpu.enqueue_indirect_dma source(%dma_start3A_8 : memref<10000x128xf32, #tpu.memory_space<hbm>>) target(%arg6 : memref<80x128xf32, #tpu.memory_space<vmem>>) offsets(%dma_start3A_5 : memref<80xi32, #tpu.memory_space<vmem>>) semaphore(%arg8 : memref<!tpu.dma_semaphore, #tpu.memory_space<semaphore_mem>>)
    %scan3A = arith.constant 0 : i32
    %scan3A_9 = arith.constant 0 : i32
    %scan3A_10 = arith.constant 62 : i32
    %scan3A_11 = arith.addi %scan3A_9, %scan3A_10 : i32
    %scan3A_12 = arith.constant 1 : i32
    scf.for %scan3A_34 = %scan3A_9 to %scan3A_11 step %scan3A_12  : i32 {
      %gt3A = arith.constant 0 : i32
      %gt3A_35 = arith.cmpi sgt, %scan3A_34, %gt3A : i32
      %convert_element_type3A = arith.extui %gt3A_35 : i1 to i32
      %cond3A = arith.constant 0 : i32
      %cond3A_36 = arith.cmpi ne, %convert_element_type3A, %cond3A : i32
      scf.if %cond3A_36 {
        %dma_wait3A_95 = arith.constant 0 : i32
        %dma_wait3A_96 = tpu.memref_slice %arg4[%mul3A_2, %dma_wait3A_95] : memref<320000x128xf32, #tpu.memory_space<hbm>> -> memref<80x128xf32, #tpu.memory_space<hbm>>
        %dma_wait3A_97 = arith.constant 0 : i32
        %dma_wait3A_98 = tpu.memref_slice %arg4[%mul3A_2, %dma_wait3A_97] : memref<320000x128xf32, #tpu.memory_space<hbm>> -> memref<80x128xf32, #tpu.memory_space<hbm>>
        tpu.wait_dma2 semaphore(%arg11 : memref<!tpu.dma_semaphore, #tpu.memory_space<semaphore_mem>>) src(%arg6 : memref<80x128xf32, #tpu.memory_space<vmem>>) dst(%dma_wait3A_98 : memref<80x128xf32, #tpu.memory_space<hbm>>)
      } else {
      }
      %mul3A_37 = arith.constant 2 : i32
      %mul3A_38 = arith.muli %mul3A_37, %scan3A_34 : i32
      %add3A_39 = arith.constant 1 : i32
      %add3A_40 = arith.addi %mul3A_38, %add3A_39 : i32
      %dma_start3A_41 = arith.constant 0 : i32
      %dma_start3A_42 = tpu.memref_slice %arg5[%add3A_40, %dma_start3A_41] : memref<125x80xi32, #tpu.memory_space<vmem>> -> memref<1x80xi32, #tpu.memory_space<vmem>>
      %dma_start3A_43 = tpu.memref_squeeze %dma_start3A_42 : memref<1x80xi32, #tpu.memory_space<vmem>> -> memref<80xi32, #tpu.memory_space<vmem>>
      %dma_start3A_44 = arith.constant 0 : i32
      %dma_start3A_45 = arith.constant 0 : i32
      %dma_start3A_46 = tpu.memref_slice %arg2[%dma_start3A_44, %dma_start3A_45] : memref<10000x128xf32, #tpu.memory_space<hbm>> -> memref<10000x128xf32, #tpu.memory_space<hbm>>
      tpu.enqueue_indirect_dma source(%dma_start3A_46 : memref<10000x128xf32, #tpu.memory_space<hbm>>) target(%arg7 : memref<80x128xf32, #tpu.memory_space<vmem>>) offsets(%dma_start3A_43 : memref<80xi32, #tpu.memory_space<vmem>>) semaphore(%arg9 : memref<!tpu.dma_semaphore, #tpu.memory_space<semaphore_mem>>)
      %dma_wait3A_47 = arith.constant 0 : i32
      %dma_wait3A_48 = arith.constant 0 : i32
      %dma_wait3A_49 = tpu.memref_slice %arg5[%dma_wait3A_47, %dma_wait3A_48] : memref<125x80xi32, #tpu.memory_space<vmem>> -> memref<1x80xi32, #tpu.memory_space<vmem>>
      %dma_wait3A_50 = tpu.memref_squeeze %dma_wait3A_49 : memref<1x80xi32, #tpu.memory_space<vmem>> -> memref<80xi32, #tpu.memory_space<vmem>>
      %dma_wait3A_51 = arith.constant 0 : i32
      %dma_wait3A_52 = arith.constant 0 : i32
      %dma_wait3A_53 = tpu.memref_slice %arg2[%dma_wait3A_51, %dma_wait3A_52] : memref<10000x128xf32, #tpu.memory_space<hbm>> -> memref<10000x128xf32, #tpu.memory_space<hbm>>
      tpu.wait_indirect_dma semaphore(%arg8 : memref<!tpu.dma_semaphore, #tpu.memory_space<semaphore_mem>>) src(%dma_wait3A_53 : memref<10000x128xf32, #tpu.memory_space<hbm>>) dst(%arg6 : memref<80x128xf32, #tpu.memory_space<vmem>>)
      %mul3A_54 = arith.constant 2 : i32
      %mul3A_55 = arith.muli %mul3A_54, %scan3A_34 : i32
      %mul3A_56 = arith.constant 80 : i32
      %mul3A_57 = arith.muli %mul3A_55, %mul3A_56 : i32
      %add3A_58 = arith.addi %mul3A_2, %mul3A_57 : i32
      %dma_start3A_59 = arith.constant 0 : i32
      %dma_start3A_60 = tpu.memref_slice %arg4[%add3A_58, %dma_start3A_59] : memref<320000x128xf32, #tpu.memory_space<hbm>> -> memref<80x128xf32, #tpu.memory_space<hbm>>
      %dma_start3A_61 = arith.constant 0 : i32
      %dma_start3A_62 = tpu.memref_slice %arg4[%add3A_58, %dma_start3A_61] : memref<320000x128xf32, #tpu.memory_space<hbm>> -> memref<80x128xf32, #tpu.memory_space<hbm>>
      tpu.enqueue_dma source(%arg6 : memref<80x128xf32, #tpu.memory_space<vmem>>) target(%dma_start3A_62 : memref<80x128xf32, #tpu.memory_space<hbm>>) target_semaphore(%arg10 : memref<!tpu.dma_semaphore, #tpu.memory_space<semaphore_mem>>)
      %dma_wait3A_63 = arith.constant 0 : i32
      %dma_wait3A_64 = tpu.memref_slice %arg4[%mul3A_2, %dma_wait3A_63] : memref<320000x128xf32, #tpu.memory_space<hbm>> -> memref<80x128xf32, #tpu.memory_space<hbm>>
      %dma_wait3A_65 = arith.constant 0 : i32
      %dma_wait3A_66 = tpu.memref_slice %arg4[%mul3A_2, %dma_wait3A_65] : memref<320000x128xf32, #tpu.memory_space<hbm>> -> memref<80x128xf32, #tpu.memory_space<hbm>>
      tpu.wait_dma2 semaphore(%arg10 : memref<!tpu.dma_semaphore, #tpu.memory_space<semaphore_mem>>) src(%arg6 : memref<80x128xf32, #tpu.memory_space<vmem>>) dst(%dma_wait3A_66 : memref<80x128xf32, #tpu.memory_space<hbm>>)
      %mul3A_67 = arith.constant 2 : i32
      %mul3A_68 = arith.muli %mul3A_67, %scan3A_34 : i32
      %add3A_69 = arith.constant 2 : i32
      %add3A_70 = arith.addi %mul3A_68, %add3A_69 : i32
      %dma_start3A_71 = arith.constant 0 : i32
      %dma_start3A_72 = tpu.memref_slice %arg5[%add3A_70, %dma_start3A_71] : memref<125x80xi32, #tpu.memory_space<vmem>> -> memref<1x80xi32, #tpu.memory_space<vmem>>
      %dma_start3A_73 = tpu.memref_squeeze %dma_start3A_72 : memref<1x80xi32, #tpu.memory_space<vmem>> -> memref<80xi32, #tpu.memory_space<vmem>>
      %dma_start3A_74 = arith.constant 0 : i32
      %dma_start3A_75 = arith.constant 0 : i32
      %dma_start3A_76 = tpu.memref_slice %arg2[%dma_start3A_74, %dma_start3A_75] : memref<10000x128xf32, #tpu.memory_space<hbm>> -> memref<10000x128xf32, #tpu.memory_space<hbm>>
      tpu.enqueue_indirect_dma source(%dma_start3A_76 : memref<10000x128xf32, #tpu.memory_space<hbm>>) target(%arg6 : memref<80x128xf32, #tpu.memory_space<vmem>>) offsets(%dma_start3A_73 : memref<80xi32, #tpu.memory_space<vmem>>) semaphore(%arg8 : memref<!tpu.dma_semaphore, #tpu.memory_space<semaphore_mem>>)
      %dma_wait3A_77 = arith.constant 0 : i32
      %dma_wait3A_78 = arith.constant 0 : i32
      %dma_wait3A_79 = tpu.memref_slice %arg5[%dma_wait3A_77, %dma_wait3A_78] : memref<125x80xi32, #tpu.memory_space<vmem>> -> memref<1x80xi32, #tpu.memory_space<vmem>>
      %dma_wait3A_80 = tpu.memref_squeeze %dma_wait3A_79 : memref<1x80xi32, #tpu.memory_space<vmem>> -> memref<80xi32, #tpu.memory_space<vmem>>
      %dma_wait3A_81 = arith.constant 0 : i32
      %dma_wait3A_82 = arith.constant 0 : i32
      %dma_wait3A_83 = tpu.memref_slice %arg2[%dma_wait3A_81, %dma_wait3A_82] : memref<10000x128xf32, #tpu.memory_space<hbm>> -> memref<10000x128xf32, #tpu.memory_space<hbm>>
      tpu.wait_indirect_dma semaphore(%arg9 : memref<!tpu.dma_semaphore, #tpu.memory_space<semaphore_mem>>) src(%dma_wait3A_83 : memref<10000x128xf32, #tpu.memory_space<hbm>>) dst(%arg6 : memref<80x128xf32, #tpu.memory_space<vmem>>)
      %mul3A_84 = arith.constant 2 : i32
      %mul3A_85 = arith.muli %mul3A_84, %scan3A_34 : i32
      %add3A_86 = arith.constant 1 : i32
      %add3A_87 = arith.addi %mul3A_85, %add3A_86 : i32
      %mul3A_88 = arith.constant 80 : i32
      %mul3A_89 = arith.muli %add3A_87, %mul3A_88 : i32
      %add3A_90 = arith.addi %mul3A_2, %mul3A_89 : i32
      %dma_start3A_91 = arith.constant 0 : i32
      %dma_start3A_92 = tpu.memref_slice %arg4[%add3A_90, %dma_start3A_91] : memref<320000x128xf32, #tpu.memory_space<hbm>> -> memref<80x128xf32, #tpu.memory_space<hbm>>
      %dma_start3A_93 = arith.constant 0 : i32
      %dma_start3A_94 = tpu.memref_slice %arg4[%add3A_90, %dma_start3A_93] : memref<320000x128xf32, #tpu.memory_space<hbm>> -> memref<80x128xf32, #tpu.memory_space<hbm>>
      tpu.enqueue_dma source(%arg7 : memref<80x128xf32, #tpu.memory_space<vmem>>) target(%dma_start3A_94 : memref<80x128xf32, #tpu.memory_space<hbm>>) target_semaphore(%arg11 : memref<!tpu.dma_semaphore, #tpu.memory_space<semaphore_mem>>)
    }
    %scan3A_13 = arith.constant 62 : i32
    %dma_wait3A = arith.constant 0 : i32
    %dma_wait3A_14 = tpu.memref_slice %arg4[%mul3A_2, %dma_wait3A] : memref<320000x128xf32, #tpu.memory_space<hbm>> -> memref<80x128xf32, #tpu.memory_space<hbm>>
    %dma_wait3A_15 = arith.constant 0 : i32
    %dma_wait3A_16 = tpu.memref_slice %arg4[%mul3A_2, %dma_wait3A_15] : memref<320000x128xf32, #tpu.memory_space<hbm>> -> memref<80x128xf32, #tpu.memory_space<hbm>>
    tpu.wait_dma2 semaphore(%arg11 : memref<!tpu.dma_semaphore, #tpu.memory_space<semaphore_mem>>) src(%arg6 : memref<80x128xf32, #tpu.memory_space<vmem>>) dst(%dma_wait3A_16 : memref<80x128xf32, #tpu.memory_space<hbm>>)
    %dma_wait3A_17 = arith.constant 0 : i32
    %dma_wait3A_18 = arith.constant 0 : i32
    %dma_wait3A_19 = tpu.memref_slice %arg5[%dma_wait3A_17, %dma_wait3A_18] : memref<125x80xi32, #tpu.memory_space<vmem>> -> memref<1x80xi32, #tpu.memory_space<vmem>>
    %dma_wait3A_20 = tpu.memref_squeeze %dma_wait3A_19 : memref<1x80xi32, #tpu.memory_space<vmem>> -> memref<80xi32, #tpu.memory_space<vmem>>
    %dma_wait3A_21 = arith.constant 0 : i32
    %dma_wait3A_22 = arith.constant 0 : i32
    %dma_wait3A_23 = tpu.memref_slice %arg2[%dma_wait3A_21, %dma_wait3A_22] : memref<10000x128xf32, #tpu.memory_space<hbm>> -> memref<10000x128xf32, #tpu.memory_space<hbm>>
    tpu.wait_indirect_dma semaphore(%arg8 : memref<!tpu.dma_semaphore, #tpu.memory_space<semaphore_mem>>) src(%dma_wait3A_23 : memref<10000x128xf32, #tpu.memory_space<hbm>>) dst(%arg6 : memref<80x128xf32, #tpu.memory_space<vmem>>)
    %add3A_24 = arith.constant 9920 : i32
    %add3A_25 = arith.addi %mul3A_2, %add3A_24 : i32
    %dma_start3A_26 = arith.constant 0 : i32
    %dma_start3A_27 = tpu.memref_slice %arg4[%add3A_25, %dma_start3A_26] : memref<320000x128xf32, #tpu.memory_space<hbm>> -> memref<80x128xf32, #tpu.memory_space<hbm>>
    %dma_start3A_28 = arith.constant 0 : i32
    %dma_start3A_29 = tpu.memref_slice %arg4[%add3A_25, %dma_start3A_28] : memref<320000x128xf32, #tpu.memory_space<hbm>> -> memref<80x128xf32, #tpu.memory_space<hbm>>
    tpu.enqueue_dma source(%arg6 : memref<80x128xf32, #tpu.memory_space<vmem>>) target(%dma_start3A_29 : memref<80x128xf32, #tpu.memory_space<hbm>>) target_semaphore(%arg10 : memref<!tpu.dma_semaphore, #tpu.memory_space<semaphore_mem>>)
    %dma_wait3A_30 = arith.constant 0 : i32
    %dma_wait3A_31 = tpu.memref_slice %arg4[%mul3A_2, %dma_wait3A_30] : memref<320000x128xf32, #tpu.memory_space<hbm>> -> memref<80x128xf32, #tpu.memory_space<hbm>>
    %dma_wait3A_32 = arith.constant 0 : i32
    %dma_wait3A_33 = tpu.memref_slice %arg4[%mul3A_2, %dma_wait3A_32] : memref<320000x128xf32, #tpu.memory_space<hbm>> -> memref<80x128xf32, #tpu.memory_space<hbm>>
    tpu.wait_dma2 semaphore(%arg10 : memref<!tpu.dma_semaphore, #tpu.memory_space<semaphore_mem>>) src(%arg6 : memref<80x128xf32, #tpu.memory_space<vmem>>) dst(%dma_wait3A_33 : memref<80x128xf32, #tpu.memory_space<hbm>>)
    return
  }
}

module attributes {stable_mosaic.version = 14 : i64} {
  func.func @_tc_layer_body(%arg0: i32, %arg1: memref<6400x128xf32, #tpu.memory_space<vmem>>, %arg2: memref<200x128xf32, #tpu.memory_space<vmem>>, %arg3: memref<128x128xf32, #tpu.memory_space<vmem>>, %arg4: memref<128x128xf32, #tpu.memory_space<vmem>>, %arg5: memref<1x128xf32, #tpu.memory_space<vmem>>, %arg6: memref<200x128xf32, #tpu.memory_space<vmem>>) attributes {dimension_semantics = [#tpu.dimension_semantics<arbitrary>], iteration_bounds = array<i64: 50>, scalar_prefetch = 0 : i64, scratch_operands = 0 : i64, tpu.core_type = #tpu.core_type<tc>, window_params = [{transform_indices = @transform_0, window_bounds = array<i64: 6400, 128>}, {transform_indices = @transform_1, window_bounds = array<i64: 200, 128>}, {pipeline_mode = #tpu.pipeline_mode<synchronous>, transform_indices = @transform_2, window_bounds = array<i64: 128, 128>}, {pipeline_mode = #tpu.pipeline_mode<synchronous>, transform_indices = @transform_3, window_bounds = array<i64: 128, 128>}, {pipeline_mode = #tpu.pipeline_mode<synchronous>, transform_indices = @transform_4, window_bounds = array<i64: 1, 128>}, {transform_indices = @transform_5, window_bounds = array<i64: 200, 128>}]} {
    %get3A = arith.constant 0 : index
    %get3A_0 = arith.constant 0 : index
    %get3A_1 = vector.load %arg1[%get3A, %get3A_0] : memref<6400x128xf32, #tpu.memory_space<vmem>>, vector<6400x128xf32>
    %get3A_2 = arith.constant 0 : index
    %get3A_3 = arith.constant 0 : index
    %get3A_4 = vector.load %arg2[%get3A_2, %get3A_3] : memref<200x128xf32, #tpu.memory_space<vmem>>, vector<200x128xf32>
    %reshape3A = vector.shape_cast %get3A_4 : vector<200x128xf32> to vector<200x1x128xf32>
    %broadcast_in_dim3A = vector.shape_cast %reshape3A : vector<200x1x128xf32> to vector<200x1x128xf32>
    %broadcast_in_dim3A_5 = vector.broadcast %broadcast_in_dim3A : vector<200x1x128xf32> to vector<200x32x128xf32>
    %reshape3A_6 = vector.shape_cast %broadcast_in_dim3A_5 : vector<200x32x128xf32> to vector<6400x128xf32>
    %broadcast_in_dim3A_7 = arith.constant 1.000000e+00 : f32
    %broadcast_in_dim3A_8 = vector.broadcast %broadcast_in_dim3A_7 : f32 to vector<128x128xf32>
    %get3A_9 = arith.constant 0 : index
    %get3A_10 = arith.constant 0 : index
    %get3A_11 = vector.load %arg3[%get3A_9, %get3A_10] : memref<128x128xf32, #tpu.memory_space<vmem>>, vector<128x128xf32>
    %dot_general3A = arith.constant dense<0.000000e+00> : vector<6400x128xf32>
    %dot_general3A_12 = tpu.matmul %get3A_1, %get3A_11, %dot_general3A {dimension_numbers = #tpu.dot_dimension_numbers<[1], [0], [0], [1], [0, 0, 1, 1], [], []>, transpose_lhs_hint = false} : vector<6400x128xf32>, vector<128x128xf32>, vector<6400x128xf32> -> vector<6400x128xf32>
    %get3A_13 = arith.constant 0 : index
    %get3A_14 = arith.constant 0 : index
    %get3A_15 = vector.load %arg4[%get3A_13, %get3A_14] : memref<128x128xf32, #tpu.memory_space<vmem>>, vector<128x128xf32>
    %dot_general3A_16 = arith.constant dense<0.000000e+00> : vector<6400x128xf32>
    %dot_general3A_17 = tpu.matmul %reshape3A_6, %get3A_15, %dot_general3A_16 {dimension_numbers = #tpu.dot_dimension_numbers<[1], [0], [0], [1], [0, 0, 1, 1], [], []>, transpose_lhs_hint = false} : vector<6400x128xf32>, vector<128x128xf32>, vector<6400x128xf32> -> vector<6400x128xf32>
    %get3A_18 = arith.constant 0 : index
    %get3A_19 = arith.constant 0 : index
    %get3A_20 = vector.load %arg5[%get3A_18, %get3A_19] : memref<1x128xf32, #tpu.memory_space<vmem>>, vector<1x128xf32>
    %add3A = vector.broadcast %get3A_20 : vector<1x128xf32> to vector<6400x128xf32>
    %add3A_21 = arith.addf %dot_general3A_17, %add3A : vector<6400x128xf32>
    %mul3A = arith.mulf %get3A_1, %reshape3A_6 : vector<6400x128xf32>
    %dot_general3A_22 = arith.constant dense<0.000000e+00> : vector<6400x128xf32>
    %dot_general3A_23 = tpu.matmul %mul3A, %broadcast_in_dim3A_8, %dot_general3A_22 {dimension_numbers = #tpu.dot_dimension_numbers<[1], [0], [0], [1], [0, 0, 1, 1], [], []>, transpose_lhs_hint = false} : vector<6400x128xf32>, vector<128x128xf32>, vector<6400x128xf32> -> vector<6400x128xf32>
    %mul3A_24 = arith.mulf %get3A_1, %get3A_1 : vector<6400x128xf32>
    %dot_general3A_25 = arith.constant dense<0.000000e+00> : vector<6400x128xf32>
    %dot_general3A_26 = tpu.matmul %mul3A_24, %broadcast_in_dim3A_8, %dot_general3A_25 {dimension_numbers = #tpu.dot_dimension_numbers<[1], [0], [0], [1], [0, 0, 1, 1], [], []>, transpose_lhs_hint = false} : vector<6400x128xf32>, vector<128x128xf32>, vector<6400x128xf32> -> vector<6400x128xf32>
    %mul3A_27 = arith.mulf %reshape3A_6, %reshape3A_6 : vector<6400x128xf32>
    %dot_general3A_28 = arith.constant dense<0.000000e+00> : vector<6400x128xf32>
    %dot_general3A_29 = tpu.matmul %mul3A_27, %broadcast_in_dim3A_8, %dot_general3A_28 {dimension_numbers = #tpu.dot_dimension_numbers<[1], [0], [0], [1], [0, 0, 1, 1], [], []>, transpose_lhs_hint = false} : vector<6400x128xf32>, vector<128x128xf32>, vector<6400x128xf32> -> vector<6400x128xf32>
    %mul3A_30 = arith.mulf %dot_general3A_26, %dot_general3A_29 : vector<6400x128xf32>
    %rsqrt3A = math.rsqrt %mul3A_30 : vector<6400x128xf32>
    %mul3A_31 = arith.mulf %dot_general3A_23, %rsqrt3A : vector<6400x128xf32>
    %add3A_32 = arith.addf %dot_general3A_12, %add3A_21 : vector<6400x128xf32>
    %mul3A_33 = arith.mulf %add3A_32, %mul3A_31 : vector<6400x128xf32>
    %reshape3A_34 = vector.shape_cast %mul3A_33 : vector<6400x128xf32> to vector<200x32x128xf32>
    %reduce_max3A = arith.constant dense<0xFF800000> : vector<200x128xf32>
    %reduce_max3A_35 = vector.multi_reduction <maximumf>, %reshape3A_34, %reduce_max3A [1] : vector<200x32x128xf32> to vector<200x128xf32>
    %swap3A = arith.constant 0 : index
    %swap3A_36 = arith.constant 0 : index
    %swap3A_37 = vector.load %arg6[%swap3A, %swap3A_36] : memref<200x128xf32, #tpu.memory_space<vmem>>, vector<200x128xf32>
    tpu.vector_store %arg6[%swap3A, %swap3A_36], %reduce_max3A_35 {strides = array<i32>} : memref<200x128xf32, #tpu.memory_space<vmem>>, vector<200x128xf32>,
    return
  }
  func.func @transform_0(%arg0: i32) -> (i32, i32) {
    %c0_i32 = arith.constant 0 : i32
    %c0_i32_0 = arith.constant 0 : i32
    return %arg0, %c0_i32 : i32, i32
  }
  func.func @transform_1(%arg0: i32) -> (i32, i32) {
    %c0_i32 = arith.constant 0 : i32
    %c0_i32_0 = arith.constant 0 : i32
    return %arg0, %c0_i32 : i32, i32
  }
  func.func @transform_2(%arg0: i32) -> (i32, i32) {
    %c0_i32 = arith.constant 0 : i32
    %c0_i32_0 = arith.constant 0 : i32
    %c0_i32_1 = arith.constant 0 : i32
    return %c0_i32, %c0_i32_0 : i32, i32
  }
  func.func @transform_3(%arg0: i32) -> (i32, i32) {
    %c0_i32 = arith.constant 0 : i32
    %c0_i32_0 = arith.constant 0 : i32
    %c0_i32_1 = arith.constant 0 : i32
    return %c0_i32, %c0_i32_0 : i32, i32
  }
  func.func @transform_4(%arg0: i32) -> (i32, i32) {
    %c0_i32 = arith.constant 0 : i32
    %c0_i32_0 = arith.constant 0 : i32
    %c0_i32_1 = arith.constant 0 : i32
    return %c0_i32, %c0_i32_0 : i32, i32
  }
  func.func @transform_5(%arg0: i32) -> (i32, i32) {
    %c0_i32 = arith.constant 0 : i32
    %c0_i32_0 = arith.constant 0 : i32
    return %arg0, %c0_i32 : i32, i32
  }
}

module attributes {stable_mosaic.version = 14 : i64} {
  func.func @_tc_layer_body(%arg0: i32, %arg1: memref<6400x128xf32, #tpu.memory_space<vmem>>, %arg2: memref<200x128xf32, #tpu.memory_space<vmem>>, %arg3: memref<128x128xf32, #tpu.memory_space<vmem>>, %arg4: memref<128x128xf32, #tpu.memory_space<vmem>>, %arg5: memref<1x128xf32, #tpu.memory_space<vmem>>, %arg6: memref<200x128xf32, #tpu.memory_space<vmem>>) attributes {dimension_semantics = [#tpu.dimension_semantics<arbitrary>], iteration_bounds = array<i64: 50>, scalar_prefetch = 0 : i64, scratch_operands = 0 : i64, tpu.core_type = #tpu.core_type<tc>, window_params = [{transform_indices = @transform_0, window_bounds = array<i64: 6400, 128>}, {transform_indices = @transform_1, window_bounds = array<i64: 200, 128>}, {pipeline_mode = #tpu.pipeline_mode<synchronous>, transform_indices = @transform_2, window_bounds = array<i64: 128, 128>}, {pipeline_mode = #tpu.pipeline_mode<synchronous>, transform_indices = @transform_3, window_bounds = array<i64: 128, 128>}, {pipeline_mode = #tpu.pipeline_mode<synchronous>, transform_indices = @transform_4, window_bounds = array<i64: 1, 128>}, {transform_indices = @transform_5, window_bounds = array<i64: 200, 128>}]} {
    %get3A = arith.constant 0 : index
    %get3A_0 = arith.constant 0 : index
    %get3A_1 = vector.load %arg1[%get3A, %get3A_0] : memref<6400x128xf32, #tpu.memory_space<vmem>>, vector<6400x128xf32>
    %get3A_2 = arith.constant 0 : index
    %get3A_3 = arith.constant 0 : index
    %get3A_4 = vector.load %arg2[%get3A_2, %get3A_3] : memref<200x128xf32, #tpu.memory_space<vmem>>, vector<200x128xf32>
    %reshape3A = vector.shape_cast %get3A_4 : vector<200x128xf32> to vector<200x1x128xf32>
    %broadcast_in_dim3A = vector.shape_cast %reshape3A : vector<200x1x128xf32> to vector<200x1x128xf32>
    %broadcast_in_dim3A_5 = vector.broadcast %broadcast_in_dim3A : vector<200x1x128xf32> to vector<200x32x128xf32>
    %reshape3A_6 = vector.shape_cast %broadcast_in_dim3A_5 : vector<200x32x128xf32> to vector<6400x128xf32>
    %broadcast_in_dim3A_7 = arith.constant 1.000000e+00 : f32
    %broadcast_in_dim3A_8 = vector.broadcast %broadcast_in_dim3A_7 : f32 to vector<128x128xf32>
    %get3A_9 = arith.constant 0 : index
    %get3A_10 = arith.constant 0 : index
    %get3A_11 = vector.load %arg3[%get3A_9, %get3A_10] : memref<128x128xf32, #tpu.memory_space<vmem>>, vector<128x128xf32>
    %dot_general3A = arith.constant dense<0.000000e+00> : vector<6400x128xf32>
    %dot_general3A_12 = tpu.matmul %get3A_1, %get3A_11, %dot_general3A {dimension_numbers = #tpu.dot_dimension_numbers<[1], [0], [0], [1], [0, 0, 1, 1], [], []>, transpose_lhs_hint = false} : vector<6400x128xf32>, vector<128x128xf32>, vector<6400x128xf32> -> vector<6400x128xf32>
    %get3A_13 = arith.constant 0 : index
    %get3A_14 = arith.constant 0 : index
    %get3A_15 = vector.load %arg4[%get3A_13, %get3A_14] : memref<128x128xf32, #tpu.memory_space<vmem>>, vector<128x128xf32>
    %dot_general3A_16 = arith.constant dense<0.000000e+00> : vector<6400x128xf32>
    %dot_general3A_17 = tpu.matmul %reshape3A_6, %get3A_15, %dot_general3A_16 {dimension_numbers = #tpu.dot_dimension_numbers<[1], [0], [0], [1], [0, 0, 1, 1], [], []>, transpose_lhs_hint = false} : vector<6400x128xf32>, vector<128x128xf32>, vector<6400x128xf32> -> vector<6400x128xf32>
    %get3A_18 = arith.constant 0 : index
    %get3A_19 = arith.constant 0 : index
    %get3A_20 = vector.load %arg5[%get3A_18, %get3A_19] : memref<1x128xf32, #tpu.memory_space<vmem>>, vector<1x128xf32>
    %add3A = vector.broadcast %get3A_20 : vector<1x128xf32> to vector<6400x128xf32>
    %add3A_21 = arith.addf %dot_general3A_17, %add3A : vector<6400x128xf32>
    %mul3A = arith.mulf %get3A_1, %reshape3A_6 : vector<6400x128xf32>
    %dot_general3A_22 = arith.constant dense<0.000000e+00> : vector<6400x128xf32>
    %dot_general3A_23 = tpu.matmul %mul3A, %broadcast_in_dim3A_8, %dot_general3A_22 {dimension_numbers = #tpu.dot_dimension_numbers<[1], [0], [0], [1], [0, 0, 1, 1], [], []>, transpose_lhs_hint = false} : vector<6400x128xf32>, vector<128x128xf32>, vector<6400x128xf32> -> vector<6400x128xf32>
    %mul3A_24 = arith.mulf %get3A_1, %get3A_1 : vector<6400x128xf32>
    %dot_general3A_25 = arith.constant dense<0.000000e+00> : vector<6400x128xf32>
    %dot_general3A_26 = tpu.matmul %mul3A_24, %broadcast_in_dim3A_8, %dot_general3A_25 {dimension_numbers = #tpu.dot_dimension_numbers<[1], [0], [0], [1], [0, 0, 1, 1], [], []>, transpose_lhs_hint = false} : vector<6400x128xf32>, vector<128x128xf32>, vector<6400x128xf32> -> vector<6400x128xf32>
    %mul3A_27 = arith.mulf %reshape3A_6, %reshape3A_6 : vector<6400x128xf32>
    %dot_general3A_28 = arith.constant dense<0.000000e+00> : vector<6400x128xf32>
    %dot_general3A_29 = tpu.matmul %mul3A_27, %broadcast_in_dim3A_8, %dot_general3A_28 {dimension_numbers = #tpu.dot_dimension_numbers<[1], [0], [0], [1], [0, 0, 1, 1], [], []>, transpose_lhs_hint = false} : vector<6400x128xf32>, vector<128x128xf32>, vector<6400x128xf32> -> vector<6400x128xf32>
    %mul3A_30 = arith.mulf %dot_general3A_26, %dot_general3A_29 : vector<6400x128xf32>
    %rsqrt3A = math.rsqrt %mul3A_30 : vector<6400x128xf32>
    %mul3A_31 = arith.mulf %dot_general3A_23, %rsqrt3A : vector<6400x128xf32>
    %add3A_32 = arith.addf %dot_general3A_12, %add3A_21 : vector<6400x128xf32>
    %mul3A_33 = arith.mulf %add3A_32, %mul3A_31 : vector<6400x128xf32>
    %reshape3A_34 = vector.shape_cast %mul3A_33 : vector<6400x128xf32> to vector<200x32x128xf32>
    %reduce_max3A = arith.constant dense<0xFF800000> : vector<200x128xf32>
    %reduce_max3A_35 = vector.multi_reduction <maximumf>, %reshape3A_34, %reduce_max3A [1] : vector<200x32x128xf32> to vector<200x128xf32>
    %swap3A = arith.constant 0 : index
    %swap3A_36 = arith.constant 0 : index
    %swap3A_37 = vector.load %arg6[%swap3A, %swap3A_36] : memref<200x128xf32, #tpu.memory_space<vmem>>, vector<200x128xf32>
    tpu.vector_store %arg6[%swap3A, %swap3A_36], %reduce_max3A_35 {strides = array<i32>} : memref<200x128xf32, #tpu.memory_space<vmem>>, vector<200x128xf32>,
    return
  }
  func.func @transform_0(%arg0: i32) -> (i32, i32) {
    %c0_i32 = arith.constant 0 : i32
    %c0_i32_0 = arith.constant 0 : i32
    return %arg0, %c0_i32 : i32, i32
  }
  func.func @transform_1(%arg0: i32) -> (i32, i32) {
    %c0_i32 = arith.constant 0 : i32
    %c0_i32_0 = arith.constant 0 : i32
    return %arg0, %c0_i32 : i32, i32
  }
  func.func @transform_2(%arg0: i32) -> (i32, i32) {
    %c0_i32 = arith.constant 0 : i32
    %c0_i32_0 = arith.constant 0 : i32
    %c0_i32_1 = arith.constant 0 : i32
    return %c0_i32, %c0_i32_0 : i32, i32
  }
  func.func @transform_3(%arg0: i32) -> (i32, i32) {
    %c0_i32 = arith.constant 0 : i32
    %c0_i32_0 = arith.constant 0 : i32
    %c0_i32_1 = arith.constant 0 : i32
    return %c0_i32, %c0_i32_0 : i32, i32
  }
  func.func @transform_4(%arg0: i32) -> (i32, i32) {
    %c0_i32 = arith.constant 0 : i32
    %c0_i32_0 = arith.constant 0 : i32
    %c0_i32_1 = arith.constant 0 : i32
    return %c0_i32, %c0_i32_0 : i32, i32
  }
  func.func @transform_5(%arg0: i32) -> (i32, i32) {
    %c0_i32 = arith.constant 0 : i32
    %c0_i32_0 = arith.constant 0 : i32
    return %arg0, %c0_i32 : i32, i32
  }
}

</mosaic_0001>

<sc_bundles>
// kernel: kernel.11.cloned.1.call-start
scs
__scs_entry_jumppad:
0x0: {  	(pc) =	sbr.rel $0x88, $3  }
0x1: {  	(tag) =	ssettag $0x0;
	lr =	simm.s32 $0x1  }
0x2: {  	[smem:$0x3F99] =	sst lr;
	_ =	strace $0xD0000000  }
0x3: {  	_ = 	snop  }
0x4: {  	_ = 	snop  }
0x5: {  	_ = 	snop  }
0x6: {  	_ = 	snop  }
0x7: {  	_ = 	snop  }
__scs_overlays_trampoline_lowered:
0x8: {  	[smem:$0x3FA8] =	sst s0  }
0x9: {  	[smem:$0x3FA9] =	sst s1  }
0xa: {  	[smem:$0x3FAA] =	sst s2  }
0xb: {  	[smem:$0x3FAB] =	sst s3  }
0xc: {  	[smem:$0x3FAC] =	sst s4  }
0xd: {  	[smem:$0x3FAD] =	sst s5  }
0xe: {  	[smem:$0x3FAE] =	sst s6  }
0xf: {  	[smem:$0x3FAF] =	sst s7  }
0x10: {  	[smem:$0x3FB0] =	sst s8  }
0x11: {  	[smem:$0x3FB1] =	sst s9;
	s0 =	simm.s32 @!p0 $0x0  }
0x12: {  	s1 =	sld [smem:$0x3F97];
	s0 =	simm.s32 @p0 $0x1  }
0x13: {  	[smem:$0x3FB2] =	sst s0;
	s0 =	simm.s32 @!p1 $0x0  }
0x14: {  	s2 =	sld [smem:$0x3F96];
	s0 =	simm.s32 @p1 $0x1  }
0x15: {  	[smem:$0x3FB3] =	sst s0;
	s0 =	simm.s32 @!p2 $0x0  }
0x16: {  	s3 =	sld [smem:$0x3FDB];
	s0 =	simm.s32 @p2 $0x1  }
0x17: {  	s4 =	simm.s32 $0x1BF5;
	[smem:$0x3FB5] =	sst s0  }
0x18: {  	s0 =	sld [smem:$0x3F98];
	_ =	swait.ge [sflag:s4], $0x0  }
0x19: {  	s7 =	sld [smem:$0x3F99]  }
0x1a: {  	s8 =	sadd.s32 $0xFFFFE003, lr  }
0x1b: {  	s9 =	sadd.s32 $0xFFFFFEF7, lr;
	s5 =	simm.s32 $0xFFFFFFFF;
	p2 =	slt.u32 s8, $0xFFFFF086  }
0x1c: {  	p1 =	slt.u32 s9, $0xF7A;
	s5 =	simm.s32 @!p2 $0x0  }
0x1d: {  	s5 =	simm.s32 @p1 $0x1;
	p0 =	seq.s32 s7, s2  }
0x1e: {  	s7 =	smul.u32 @!p0 $0xF7A, s2;
	p2 =	seq.s32 @!p0 s5, $0x0  }
0x1f: {  	s9 =	smul.u32 $0xF7A, s1;
	s8 =	simm.s32 @!p0 $0x1BF5;
	p2 =	por !p2, p0  }
0x20: {  	[sflag:s8] =	ssyncset.s32 @!p0 $0xFFFFF086;
	s6 =	sadd.s32 @!p0 s3, s7;
	s7 =	simm.s32 @!p0 $0x108  }
0x21: {  	s3 =	sadd.s32 s3, s9;
	s6 =	sadd.s32 @!p0 $0x88, s6;
	s7 =	simm.s32 @p2 $0x1082  }
0x22: {  	[simem:s7], [sflag:s8] =	dma.local @!p0 [hbm:s6], $0xF7A  }
0x23: {  	s9 =	sor.u32 $0xD0000000, s2;
	s6 =	simm.s32 $0x108;
	_ =	swait.ge @!p0 [sflag:s8], $0x0  }
0x24: {  	s3 =	sadd.s32 $0x88, s3;
	s6 =	simm.s32 @!p1 $0x1082;
	[sflag:s4] =	ssyncset.s32 $0xFFFFF086  }
0x25: {  	[simem:s6], [sflag:s4] =	dma.local [hbm:s3], $0xF7A  }
0x26: {  	[smem:$0x3F99] =	sst s1;
	(tag) =	ssettag s2;
	_ =	strace s9  }
0x27: {  	s1 =	sld [smem:$0x3FA9]  }
0x28: {  	s2 =	sld [smem:$0x3FAA]  }
0x29: {  	s4 =	sld [smem:$0x3FAC]  }
0x2a: {  	p0 =	seq.s32 s5, $0x0;
	s5 =	sld [smem:$0x3FAD]  }
0x2b: {  	s6 =	sld [smem:$0x3FAE]  }
0x2c: {  	s7 =	sld [smem:$0x3FAF]  }
0x2d: {  	s3 =	simm.s32 $0x108;
	s8 =	sld [smem:$0x3FB0]  }
0x2e: {  	s3 =	simm.s32 @!p0 $0x1082;
	s9 =	sld [smem:$0x3FB1]  }
0x2f: {  	lr =	sadd.s32 s0, s3;
	s0 =	sld [smem:$0x3FA8]  }
0x30: {  	s3 =	sld [smem:$0x3FAB]  }
0x31: {  	[smem:$0x3FB4] =	sst s10  }
0x32: {  	s10 =	sld [smem:$0x3FB2];
	_ =	sdelay $0x3  }
0x33: {  	p0 =	seq.s32 s10, $0x1;
	s10 =	sld [smem:$0x3FB4];
	_ =	sdelay $0x3  }
0x34: {  	[smem:$0x3FB4] =	sst s10  }
0x35: {  	s10 =	sld [smem:$0x3FB3];
	_ =	sdelay $0x3  }
0x36: {  	p1 =	seq.s32 s10, $0x1;
	s10 =	sld [smem:$0x3FB4];
	_ =	sdelay $0x3  }
0x37: {  	[smem:$0x3FB4] =	sst s10  }
0x38: {  	s10 =	sld [smem:$0x3FB5]  }
0x39: {  	_ = 	snop;
	(pc) =	sbr.ind lr, $3  }
0x3a: {  	_ = 	snop  }
0x3b: {  	_ = 	snop  }
0x3c: {  	p2 =	seq.s32 s10, $0x1;
	s10 =	sld [smem:$0x3FB4]  }
0x3d: {  	_ =	shalt  }
0x3e: {  	_ =	shalt  }
0x3f: {  	_ =	shalt  }
0x40: {  	_ =	shalt  }
0x41: {  	_ =	shalt  }
0x42: {  	_ =	shalt  }
0x43: {  	_ =	shalt  }
0x44: {  	_ =	shalt  }
0x45: {  	_ =	shalt  }
0x46: {  	_ =	shalt  }
0x47: {  	_ =	shalt  }
0x48: {  	_ =	shalt  }
0x49: {  	_ =	shalt  }
0x4a: {  	_ =	shalt  }
0x4b: {  	_ =	shalt  }
0x4c: {  	_ =	shalt  }
0x4d: {  	_ =	shalt  }
0x4e: {  	_ =	shalt  }
0x4f: {  	_ =	shalt  }
0x50: {  	_ =	shalt  }
0x51: {  	_ =	shalt  }
0x52: {  	_ =	shalt  }
0x53: {  	_ =	shalt  }
0x54: {  	_ =	shalt  }
0x55: {  	_ =	shalt  }
0x56: {  	_ =	shalt  }
0x57: {  	_ =	shalt  }
0x58: {  	_ =	shalt  }
0x59: {  	_ =	shalt  }
0x5a: {  	_ =	shalt  }
0x5b: {  	_ =	shalt  }
0x5c: {  	_ =	shalt  }
0x5d: {  	_ =	shalt  }
0x5e: {  	_ =	shalt  }
0x5f: {  	_ =	shalt  }
0x60: {  	_ =	shalt  }
0x61: {  	_ =	shalt  }
0x62: {  	_ =	shalt  }
0x63: {  	_ =	shalt  }
0x64: {  	_ =	shalt  }
0x65: {  	_ =	shalt  }
0x66: {  	_ =	shalt  }
0x67: {  	_ =	shalt  }
0x68: {  	_ =	shalt  }
0x69: {  	_ =	shalt  }
0x6a: {  	_ =	shalt  }
0x6b: {  	_ =	shalt  }
0x6c: {  	_ =	shalt  }
0x6d: {  	_ =	shalt  }
0x6e: {  	_ =	shalt  }
0x6f: {  	_ =	shalt  }
0x70: {  	_ =	shalt  }
0x71: {  	_ =	shalt  }
0x72: {  	_ =	shalt  }
0x73: {  	_ =	shalt  }
0x74: {  	_ =	shalt  }
0x75: {  	_ =	shalt  }
0x76: {  	_ =	shalt  }
0x77: {  	_ =	shalt  }
0x78: {  	_ =	shalt  }
0x79: {  	_ =	shalt  }
0x7a: {  	_ =	shalt  }
0x7b: {  	_ =	shalt  }
0x7c: {  	_ =	shalt  }
0x7d: {  	_ =	shalt  }
0x7e: {  	_ =	shalt  }
0x7f: {  	_ =	shalt  }
0x80: {  	_ =	shalt  }
0x81: {  	_ =	shalt  }
0x82: {  	_ =	shalt  }
0x83: {  	_ =	shalt  }
0x84: {  	_ =	shalt  }
0x85: {  	_ =	shalt  }
0x86: {  	_ =	shalt  }
0x87: {  	_ =	shalt  }
.Lfunc_end0:
.L_simem_size_0:
called_computation.1_lowered:
.L_overlay_start_0:
0x88: {  	s2 =	sld [smem:$0x3FD9]  }
0x89: {  	s3 =	sld [smem:$0x3FFE];
	_ =	sdelay $0x1  }
0x8a: {  	s1 =	srdreg.scid  }
0x8b: {  	s0 =	sand.u32 $0x1, s1  }
0x8c: {  	s17 =	sshll.u32 s0, $0xA;
	s2 =	sadd.s32 s3, s2  }
0x8d: {  	s2 =	sadd.s32 s2, s17  }
0x8e: {  	[smem:$0x3FC0] =	sst s2  }
0x8f: {  	_ = 	snop  }
0x90: {  	s2 =	sld [smem:$0x3FD0];
	(tm) =	ssettm $0x1  }
0x91: {  	s18 =	sld [smem:$0x3FFB];
	_ =	sdelay $0x3  }
0x92: {  	_ =	strace s18  }
0x93: {  	s3 =	sld [smem:$0x3FFC];
	_ =	sdelay $0x3  }
0x94: {  	_ =	strace s3  }
0x95: {  	s3 =	sld [smem:$0x3FFD];
	_ =	sdelay $0x3  }
0x96: {  	_ =	strace s3  }
0x97: {  	_ =	strace $0x8FFFFFFF  }
0x98: {  	s19 =	sld [smem:$0x3FDB];
	_ =	sdelay $0x1  }
0x99: {  	s4 =	simm.s32 $_scs_section_size  }
0x9a: {  	s5 =	simm.s32 $_size__tile_overlayer_lowered;
	s6 =	simm.s32 $_tile_overlayer_lowered  }
0x9b: {  	s22 =	simm.s32 $0x1BFF;
	s21 =	sshll.u32 s6, $0x1;
	s3 =	sadd.s32 s4, s19  }
0x9c: {  	s7 =	simm.s32 $0x0;
	s20 =	sshll.u32 s5, $0x1;
	s5 =	sadd.s32 s21, s3  }
0x9d: {  	[timem:s7], [sflag:s22] =	dma.local [hbm:s5], s20  }
0x9e: {  	_ =	swait.ge [sflag:s22], s20  }
0x9f: {  	s4 =	ssub.s32 $0x0, s20;
	[sflag:s22] =	ssyncset.done $0x0  }
0xa0: {  	[sflag:s22] =	ssyncadd.s32 s4;
	_ =	sdelay $0x1  }
0xa1: {  	s23 =	simm.s32 $0x1B8B  }
0xa2: {  	_ =	swait.ge [sflag:s23], $0x1  }
0xa3: {  	[sflag:s23] =	ssyncset.done $0x0  }
0xa4: {  	s25 =	simm.s32 $0x1B8E;
	s24 =	sld [smem:$0x3FFE];
	[sflag:s23] =	ssyncadd.s32 $0xFFFFFFFF  }
0xa5: {  	s26 =	simm.s32 $execute0_lowered;
	[smem:$0x3FD2] =	sst s25  }
0xa6: {  	s5 =	sshll.u32 s26, $0x1;
	_ =	strace $0x80000049;
	[dreg:$0x1] =	wrdreg $0xFFFFFFFF  }
0xa7: {  	s28 =	simm.s32 $_size_execute0_lowered;
	s3 =	sadd.s32 s3, s5;
	[dreg:$0x0] =	wrdreg $0x0  }
0xa8: {  	s5 =	sshll.u32 s28, $0x1;
	[dreg:$0x2] =	wrdreg s3  }
0xa9: {  	[dreg:$0x3] =	wrdreg s5  }
0xaa: {  	[dreg:$0x4] =	wrdreg $0xC0  }
0xab: {  	_ =	task [dreg:s7], $0x5FFFF  }
0xac: {  	[dreg:$0x1] =	wrdreg $0xFFFFFFFF  }
0xad: {  	[dreg:$0x0] =	wrdreg $0x60  }
0xae: {  	[dreg:$0x2] =	wrdreg s2  }
0xaf: {  	[dreg:$0x3] =	wrdreg s24  }
0xb0: {  	[dreg:$0x4] =	wrdreg $0x9  }
0xb1: {  	_ =	task.clear_ibuf [dreg:s7], $0x5FFFF;
	_ =	strace $0x90000049  }
0xb2: {  	s29 =	simm.s32 $0x9;
	_ =	strace $0x8000004B  }
0xb3: {  	_ =	swait.ge [sflag:s29], $0x1  }
0xb4: {  	[sflag:s29] =	ssyncadd.s32 $0xFFFFFFFF  }
0xb5: {  	_ =	strace $0x9000004B  }
0xb6: {  	_ =	sfence  }
0xb7: {  	s30 =	sld [smem:$0x0];
	_ =	sdelay $0x2  }
0xb8: {  	s31 =	sshll.u32 s1, $0xD;
	s1 =	sshrl.u32 s1, $0x2  }
0xb9: {  	s3 =	sand.u32 $0x4000, s31;
	s1 =	sadd.s32 s1, s30  }
0xba: {  	s0 =	sor.u32 s3, s0;
	s1 =	sshll.u32 s1, $0x11  }
0xbb: {  	s0 =	sor.u32 s1, s0  }
0xbc: {  	s0 =	sadd.s32 $0x8F2B, s0  }
0xbd: {  	[sflag:s0] =	ssyncadd.remote.s32 $0x1  }
0xbe: {  	_ =	sfence.sel $0xFFFF  }
0xbf: {  	[dreg:$0x0] =	wrdreg $0xFFFFFFFF;
	(pc) =	sbr.abs _section_cstart, $3  }
0xc0: {  	[dreg:$0x1] =	wrdreg $0xFFFFFFFF  }
0xc1: {  	_ =	task.clear_ibuf [dreg:s7], $0x2FFFF;
	_ =	strace $0x9FFFFFFF  }
0xc2: {  	(tm) =	ssettm $0x7FFFFFFF  }
0xc3: {  	_ =	shalt  }
tec
execute0_lowered:
.L_overlay_start_1:
0x0: {  	(tag) =	ssettag $0x1  }
0x1: {  	s2 =	rddreg [dreg:$0x0]  }
0x2: {  	s4 =	rddreg [dreg:$0x1]  }
0x3: {  	s0 =	rddreg [dreg:$0x2]  }
0x4: {  	s5 =	srdreg.scid;
	s1 =	stileid.u32;
	s3 =	simm.s32 $0x0  }
0x5: {  	s12 =	simm.s32 $0x4000;
	s13 =	simm.s32 $0x80;
	s14 =	simm.s32 $0x6800  }
0x6: {  	s15 =	simm.s32 $0x1;
	s16 =	simm.s32 $0x3;
	s17 =	simm.s32 $0x100  }
0x7: {  	s18 =	simm.s32 $0x2;
	s19 =	simm.s32 $0x4;
	s20 =	simm.s32 $0x0  }
0x8: {  	s5 =	sand.u32 $0x1, s5;
	s6 =	sshll.u32 s1, $0x1;
	[smem:$0x7FF] =	sst s3  }
0x9: {  	s10 =	sadd.s32 $0x12800, s4;
	s11 =	smul.u32 $0x4E200, s1;
	s6 =	sor.u32 s5, s6  }
0xa: {  	_ =	strace $0x8000004A;
	s8 =	ssub.s32 $0x2, s5;
	s9 =	smul.u32 $0x138800, s6  }
0xb: {  	s7 =	sshll.u32 s6, $0xB;
	s29 =	sshrl.u32 s8, $0x1;
	s6 =	smul.u32 $0x27100, s6  }
0xc: {  	s31 =	smul.u32 $0x27100, s5;
	s7 =	sadd.s32 s7, s4;
	s8 =	ssub.s32 s8, s29  }
0xd: {  	s9 =	sshrl.u32 s9, $0x3;
	s4 =	sadd.s32 $0x2800, s7;
	s6 =	sadd.s32 s10, s6  }
0xe: {  	s7 =	smax.u32 s8, $0x1;
	s30 =	sadd.s32 s10, s9;
	s10 =	sadd.s32 s11, s10  }
0xf: {  	s8 =	sadd.s32 $0x500, s6;
	s11 =	simm.s32 $0x50;
	s9 =	sadd.s32 s31, s10  }
0x10: {  	s5 =	sadd.s32 $0x26C00, s30;
	s10 =	simm.s32 $0x5;
	s9 =	sadd.s32 $0xA00, s9  }
.LBB2_1:
0x11: {  	[tilespmem:s3], [sflag:$0x5] =	stream.linear.gather [hbm4b:s4+s3], $0x3E80, $0x38;
	[tilespmem:$0x9000] =	vst v63  }
0x12: {  	_ =	swait.ge [sflag:s10], $0x3E80  }
0x13: {  	[sflag:s10] =	ssyncset.done $0x0  }
0x14: {  	[sflag:s10] =	ssyncadd.s32 $0xFFFFC180  }
0x15: {  	[tilespmem:s12], [sflag:$0x1] =	stream.indirect.gather [hbm4b:s2+s11], $0x80, s3, s11, $0xb8;
	[tilespmem:$0x9000] =	vst v63  }
0x16: {  	_ = 	snop  }
0x17: {  	[tilespmem:s14], [sflag:$0x2] =	stream.indirect.gather [hbm4b:s2+s11], $0x80, s13, s11, $0xb8;
	[tilespmem:$0x9000] =	vst v63  }
0x18: {  	_ =	swait.ge [sflag:s15], $0x2800  }
0x19: {  	[sflag:s15] =	ssyncset.done $0x0  }
0x1a: {  	[sflag:s15] =	ssyncadd.s32 $0xFFFFD800  }
0x1b: {  	[hbm4b:s6+s3] =	stream.linear.scatter [tilespmem:s12], [sflag:$0x3], $0x2800, $0x38;
	[tilespmem:$0x9000] =	vst v63  }
0x1c: {  	_ =	swait.ge [sflag:s16], $0x2800  }
0x1d: {  	[sflag:s16] =	ssyncset.done $0x0  }
0x1e: {  	[sflag:s16] =	ssyncadd.s32 $0xFFFFD800  }
0x1f: {  	[tilespmem:s12], [sflag:$0x1] =	stream.indirect.gather [hbm4b:s2+s11], $0x80, s17, s11, $0xb8;
	[tilespmem:$0x9000] =	vst v63  }
0x20: {  	_ =	swait.ge [sflag:s18], $0x2800  }
0x21: {  	[sflag:s18] =	ssyncset.done $0x0  }
0x22: {  	[sflag:s18] =	ssyncadd.s32 $0xFFFFD800  }
0x23: {  	[hbm4b:s8+s3] =	stream.linear.scatter [tilespmem:s14], [sflag:$0x4], $0x2800, $0x38;
	[tilespmem:$0x9000] =	vst v63  }
0x24: {  	_ =	swait.ge [sflag:s19], $0x2800  }
0x25: {  	[sflag:s19] =	ssyncset.done $0x0  }
0x26: {  	s21 =	simm.s32 $0x180;
	[sflag:s19] =	ssyncadd.s32 $0xFFFFD800  }
0x27: {  	[tilespmem:s14], [sflag:$0x2] =	stream.indirect.gather [hbm4b:s2+s11], $0x80, s21, s11, $0xb8;
	[tilespmem:$0x9000] =	vst v63  }
0x28: {  	_ =	swait.ge [sflag:s15], $0x2800  }
0x29: {  	[sflag:s15] =	ssyncset.done $0x0  }
0x2a: {  	[sflag:s15] =	ssyncadd.s32 $0xFFFFD800  }
0x2b: {  	[hbm4b:s9+s3] =	stream.linear.scatter [tilespmem:s12], [sflag:$0x3], $0x2800, $0x38;
	[tilespmem:$0x9000] =	vst v63  }
0x2c: {  	_ =	swait.ge [sflag:s16], $0x2800  }
0x2d: {  	[sflag:s16] =	ssyncset.done $0x0  }
0x2e: {  	s31 =	simm.s32 $0x200;
	[sflag:s16] =	ssyncadd.s32 $0xFFFFD800  }
0x2f: {  	[tilespmem:s12], [sflag:$0x1] =	stream.indirect.gather [hbm4b:s2+s11], $0x80, s31, s11, $0xb8;
	[tilespmem:$0x9000] =	vst v63  }
0x30: {  	_ =	swait.ge [sflag:s18], $0x2800  }
0x31: {  	s23 =	sadd.s32 $0x500, s9;
	[sflag:s18] =	ssyncset.done $0x0  }
0x32: {  	s22 =	sadd.s32 $0xA00, s9;
	s21 =	simm.s32 $0x400;
	[sflag:s18] =	ssyncadd.s32 $0xFFFFD800  }
.LBB2_2:
0x33: {  	[hbm4b:s23+s3] =	stream.linear.scatter [tilespmem:s14], [sflag:$0x4], $0x2800, $0x38;
	[tilespmem:$0x9000] =	vst v63  }
0x34: {  	s23 =	smov.u32 s21  }
0x35: {  	p0 =	sne.s32 s21, $0xF000;
	s21 =	sadd.s32 $0x400, s21;
	_ =	swait.ge [sflag:s19], $0x2800  }
0x36: {  	s23 =	sshra.s32 s23, $0x2;
	[sflag:s19] =	ssyncset.done $0x0  }
0x37: {  	s24 =	sadd.s32 $0x180, s23;
	[sflag:s19] =	ssyncadd.s32 $0xFFFFD800  }
0x38: {  	[tilespmem:s14], [sflag:$0x2] =	stream.indirect.gather [hbm4b:s2+s11], $0x80, s24, s11, $0xb8;
	[tilespmem:$0x9000] =	vst v63  }
0x39: {  	_ =	swait.ge [sflag:s15], $0x2800  }
0x3a: {  	[sflag:s15] =	ssyncset.done $0x0  }
0x3b: {  	[sflag:s15] =	ssyncadd.s32 $0xFFFFD800  }
0x3c: {  	[hbm4b:s22+s3] =	stream.linear.scatter [tilespmem:s12], [sflag:$0x3], $0x2800, $0x38;
	[tilespmem:$0x9000] =	vst v63  }
0x3d: {  	_ =	swait.ge [sflag:s16], $0x2800  }
0x3e: {  	[sflag:s16] =	ssyncset.done $0x0  }
.Ltmp0:
0x3f: {  	s23 =	sadd.s32 $0x200, s23;
	[sflag:s16] =	ssyncadd.s32 $0xFFFFD800;
	(pc) =	sbr.rel @p0 .LBB2_2-.Ltmp0, $4  }
0x40: {  	[tilespmem:s12], [sflag:$0x1] =	stream.indirect.gather [hbm4b:s2+s11], $0x80, s23, s11, $0xb8;
	[tilespmem:$0x9000] =	vst v63  }
0x41: {  	_ =	swait.ge [sflag:s18], $0x2800  }
0x42: {  	[sflag:s18] =	ssyncset.done $0x0  }
0x43: {  	s23 =	sadd.s32 $0x500, s22;
	s22 =	sadd.s32 $0xA00, s22;
	[sflag:s18] =	ssyncadd.s32 $0xFFFFD800  }
0x44: {  	[hbm4b:s23+s3] =	stream.linear.scatter [tilespmem:s14], [sflag:$0x4], $0x2800, $0x38;
	[tilespmem:$0x9000] =	vst v63  }
0x45: {  	_ =	swait.ge [sflag:s19], $0x2800  }
0x46: {  	[sflag:s19] =	ssyncset.done $0x0  }
0x47: {  	[sflag:s19] =	ssyncadd.s32 $0xFFFFD800  }
0x48: {  	s20 =	sadd.s32 $0x1, s20;
	_ =	swait.ge [sflag:s15], $0x2800  }
0x49: {  	p0 =	sne.s32 s20, s7;
	[sflag:s15] =	ssyncset.done $0x0  }
.Ltmp1:
0x4a: {  	[sflag:s15] =	ssyncadd.s32 $0xFFFFD800;
	(pc) =	sbr.rel @p0 .LBB2_1-.Ltmp1, $4  }
0x4b: {  	[hbm4b:s5+s3] =	stream.linear.scatter [tilespmem:s12], [sflag:$0x3], $0x2800, $0x38;
	[tilespmem:$0x9000] =	vst v63  }
0x4c: {  	_ =	swait.ge [sflag:s16], $0x2800  }
0x4d: {  	[sflag:s16] =	ssyncset.done $0x0  }
0x4e: {  	[sflag:s16] =	ssyncadd.s32 $0xFFFFD800  }
0x4f: {  	_ =	sfence.sel $0x180000  }
0x50: {  	[bflag:$0x0] =	sbarrier.arrive $0xFFFF  }
0x51: {  	p0 =	sne.s32 s1, $0x0;
	_ =	strace $0x9000004A  }
0x52: {  	s0 =	sadd.s32 @!p0 $0x100000, s0;
	[bflag:$0x2] =	sbarrier.arrive $0xFFFF  }
0x53: {  	[sflag:s0] =	ssyncadd.tile.s32 @!p0 $0x1;
	_ =	shalt  }
.Lfunc_end2:
_tile_overlayer_lowered:
.L_overlay_start_2:
0x54: {  	(tag) =	ssettag $0x2  }
0x55: {  	s0 =	rddreg [dreg:$0x0];
	s2 =	stileid.u32  }
0x56: {  	s1 =	rddreg [dreg:$0x1];
	p0 =	sne.s32 s2, $0x0  }
0x57: {  	s3 =	rddreg [dreg:$0x2];
	[bflag:$0x3] =	sbarrier.arrive $0xFFFF;
	s2 =	simm.s32 @!p0 $0x1C05  }
0x58: {  	[timem:s3], [sflag:s2] =	dma.local @!p0 [hbm:s0], s1  }
0x59: {  	s0 =	simm.s32 @!p0 $0x5  }
0x5a: {  	_ =	swait.ge @!p0 [sflag:s0], s1  }
0x5b: {  	s1 =	ssub.s32 @!p0 $0x0, s1;
	[sflag:s0] =	ssyncset.done @!p0 $0x0  }
0x5c: {  	[sflag:s0] =	ssyncadd.s32 @!p0 s1  }
0x5d: {  	[bflag:$0x3] =	sbarrier.arrive $0xFFFF  }
0x5e: {  	_ =	shalt  }

// kernel: kernel.14.cloned.1.call-start
scs
__scs_entry_jumppad:
0x0: {  	(pc) =	sbr.rel $0x88, $3  }
0x1: {  	(tag) =	ssettag $0x0;
	lr =	simm.s32 $0x1  }
0x2: {  	[smem:$0x3F99] =	sst lr;
	_ =	strace $0xD0000000  }
0x3: {  	_ = 	snop  }
0x4: {  	_ = 	snop  }
0x5: {  	_ = 	snop  }
0x6: {  	_ = 	snop  }
0x7: {  	_ = 	snop  }
__scs_overlays_trampoline_lowered:
0x8: {  	[smem:$0x3FA8] =	sst s0  }
0x9: {  	[smem:$0x3FA9] =	sst s1  }
0xa: {  	[smem:$0x3FAA] =	sst s2  }
0xb: {  	[smem:$0x3FAB] =	sst s3  }
0xc: {  	[smem:$0x3FAC] =	sst s4  }
0xd: {  	[smem:$0x3FAD] =	sst s5  }
0xe: {  	[smem:$0x3FAE] =	sst s6  }
0xf: {  	[smem:$0x3FAF] =	sst s7  }
0x10: {  	[smem:$0x3FB0] =	sst s8  }
0x11: {  	[smem:$0x3FB1] =	sst s9;
	s0 =	simm.s32 @!p0 $0x0  }
0x12: {  	s1 =	sld [smem:$0x3F97];
	s0 =	simm.s32 @p0 $0x1  }
0x13: {  	[smem:$0x3FB2] =	sst s0;
	s0 =	simm.s32 @!p1 $0x0  }
0x14: {  	s2 =	sld [smem:$0x3F96];
	s0 =	simm.s32 @p1 $0x1  }
0x15: {  	[smem:$0x3FB3] =	sst s0;
	s0 =	simm.s32 @!p2 $0x0  }
0x16: {  	s3 =	sld [smem:$0x3FDB];
	s0 =	simm.s32 @p2 $0x1  }
0x17: {  	s4 =	simm.s32 $0x1BF5;
	[smem:$0x3FB5] =	sst s0  }
0x18: {  	s0 =	sld [smem:$0x3F98];
	_ =	swait.ge [sflag:s4], $0x0  }
0x19: {  	s7 =	sld [smem:$0x3F99]  }
0x1a: {  	s8 =	sadd.s32 $0xFFFFE003, lr  }
0x1b: {  	s9 =	sadd.s32 $0xFFFFFEF7, lr;
	s5 =	simm.s32 $0xFFFFFFFF;
	p2 =	slt.u32 s8, $0xFFFFF086  }
0x1c: {  	p1 =	slt.u32 s9, $0xF7A;
	s5 =	simm.s32 @!p2 $0x0  }
0x1d: {  	s5 =	simm.s32 @p1 $0x1;
	p0 =	seq.s32 s7, s2  }
0x1e: {  	s7 =	smul.u32 @!p0 $0xF7A, s2;
	p2 =	seq.s32 @!p0 s5, $0x0  }
0x1f: {  	s9 =	smul.u32 $0xF7A, s1;
	s8 =	simm.s32 @!p0 $0x1BF5;
	p2 =	por !p2, p0  }
0x20: {  	[sflag:s8] =	ssyncset.s32 @!p0 $0xFFFFF086;
	s6 =	sadd.s32 @!p0 s3, s7;
	s7 =	simm.s32 @!p0 $0x108  }
0x21: {  	s3 =	sadd.s32 s3, s9;
	s6 =	sadd.s32 @!p0 $0x88, s6;
	s7 =	simm.s32 @p2 $0x1082  }
0x22: {  	[simem:s7], [sflag:s8] =	dma.local @!p0 [hbm:s6], $0xF7A  }
0x23: {  	s9 =	sor.u32 $0xD0000000, s2;
	s6 =	simm.s32 $0x108;
	_ =	swait.ge @!p0 [sflag:s8], $0x0  }
0x24: {  	s3 =	sadd.s32 $0x88, s3;
	s6 =	simm.s32 @!p1 $0x1082;
	[sflag:s4] =	ssyncset.s32 $0xFFFFF086  }
0x25: {  	[simem:s6], [sflag:s4] =	dma.local [hbm:s3], $0xF7A  }
0x26: {  	[smem:$0x3F99] =	sst s1;
	(tag) =	ssettag s2;
	_ =	strace s9  }
0x27: {  	s1 =	sld [smem:$0x3FA9]  }
0x28: {  	s2 =	sld [smem:$0x3FAA]  }
0x29: {  	s4 =	sld [smem:$0x3FAC]  }
0x2a: {  	p0 =	seq.s32 s5, $0x0;
	s5 =	sld [smem:$0x3FAD]  }
0x2b: {  	s6 =	sld [smem:$0x3FAE]  }
0x2c: {  	s7 =	sld [smem:$0x3FAF]  }
0x2d: {  	s3 =	simm.s32 $0x108;
	s8 =	sld [smem:$0x3FB0]  }
0x2e: {  	s3 =	simm.s32 @!p0 $0x1082;
	s9 =	sld [smem:$0x3FB1]  }
0x2f: {  	lr =	sadd.s32 s0, s3;
	s0 =	sld [smem:$0x3FA8]  }
0x30: {  	s3 =	sld [smem:$0x3FAB]  }
0x31: {  	[smem:$0x3FB4] =	sst s10  }
0x32: {  	s10 =	sld [smem:$0x3FB2];
	_ =	sdelay $0x3  }
0x33: {  	p0 =	seq.s32 s10, $0x1;
	s10 =	sld [smem:$0x3FB4];
	_ =	sdelay $0x3  }
0x34: {  	[smem:$0x3FB4] =	sst s10  }
0x35: {  	s10 =	sld [smem:$0x3FB3];
	_ =	sdelay $0x3  }
0x36: {  	p1 =	seq.s32 s10, $0x1;
	s10 =	sld [smem:$0x3FB4];
	_ =	sdelay $0x3  }
0x37: {  	[smem:$0x3FB4] =	sst s10  }
0x38: {  	s10 =	sld [smem:$0x3FB5]  }
0x39: {  	_ = 	snop;
	(pc) =	sbr.ind lr, $3  }
0x3a: {  	_ = 	snop  }
0x3b: {  	_ = 	snop  }
0x3c: {  	p2 =	seq.s32 s10, $0x1;
	s10 =	sld [smem:$0x3FB4]  }
0x3d: {  	_ =	shalt  }
0x3e: {  	_ =	shalt  }
0x3f: {  	_ =	shalt  }
0x40: {  	_ =	shalt  }
0x41: {  	_ =	shalt  }
0x42: {  	_ =	shalt  }
0x43: {  	_ =	shalt  }
0x44: {  	_ =	shalt  }
0x45: {  	_ =	shalt  }
0x46: {  	_ =	shalt  }
0x47: {  	_ =	shalt  }
0x48: {  	_ =	shalt  }
0x49: {  	_ =	shalt  }
0x4a: {  	_ =	shalt  }
0x4b: {  	_ =	shalt  }
0x4c: {  	_ =	shalt  }
0x4d: {  	_ =	shalt  }
0x4e: {  	_ =	shalt  }
0x4f: {  	_ =	shalt  }
0x50: {  	_ =	shalt  }
0x51: {  	_ =	shalt  }
0x52: {  	_ =	shalt  }
0x53: {  	_ =	shalt  }
0x54: {  	_ =	shalt  }
0x55: {  	_ =	shalt  }
0x56: {  	_ =	shalt  }
0x57: {  	_ =	shalt  }
0x58: {  	_ =	shalt  }
0x59: {  	_ =	shalt  }
0x5a: {  	_ =	shalt  }
0x5b: {  	_ =	shalt  }
0x5c: {  	_ =	shalt  }
0x5d: {  	_ =	shalt  }
0x5e: {  	_ =	shalt  }
0x5f: {  	_ =	shalt  }
0x60: {  	_ =	shalt  }
0x61: {  	_ =	shalt  }
0x62: {  	_ =	shalt  }
0x63: {  	_ =	shalt  }
0x64: {  	_ =	shalt  }
0x65: {  	_ =	shalt  }
0x66: {  	_ =	shalt  }
0x67: {  	_ =	shalt  }
0x68: {  	_ =	shalt  }
0x69: {  	_ =	shalt  }
0x6a: {  	_ =	shalt  }
0x6b: {  	_ =	shalt  }
0x6c: {  	_ =	shalt  }
0x6d: {  	_ =	shalt  }
0x6e: {  	_ =	shalt  }
0x6f: {  	_ =	shalt  }
0x70: {  	_ =	shalt  }
0x71: {  	_ =	shalt  }
0x72: {  	_ =	shalt  }
0x73: {  	_ =	shalt  }
0x74: {  	_ =	shalt  }
0x75: {  	_ =	shalt  }
0x76: {  	_ =	shalt  }
0x77: {  	_ =	shalt  }
0x78: {  	_ =	shalt  }
0x79: {  	_ =	shalt  }
0x7a: {  	_ =	shalt  }
0x7b: {  	_ =	shalt  }
0x7c: {  	_ =	shalt  }
0x7d: {  	_ =	shalt  }
0x7e: {  	_ =	shalt  }
0x7f: {  	_ =	shalt  }
0x80: {  	_ =	shalt  }
0x81: {  	_ =	shalt  }
0x82: {  	_ =	shalt  }
0x83: {  	_ =	shalt  }
0x84: {  	_ =	shalt  }
0x85: {  	_ =	shalt  }
0x86: {  	_ =	shalt  }
0x87: {  	_ =	shalt  }
.Lfunc_end0:
.L_simem_size_0:
called_computation.2_lowered:
.L_overlay_start_0:
0x88: {  	s2 =	sld [smem:$0x3FD9]  }
0x89: {  	s3 =	sld [smem:$0x3FFE];
	_ =	sdelay $0x1  }
0x8a: {  	s1 =	srdreg.scid  }
0x8b: {  	s0 =	sand.u32 $0x1, s1  }
0x8c: {  	s17 =	sshll.u32 s0, $0xA;
	s2 =	sadd.s32 s3, s2  }
0x8d: {  	s2 =	sadd.s32 s2, s17  }
0x8e: {  	[smem:$0x3FC0] =	sst s2  }
0x8f: {  	_ = 	snop  }
0x90: {  	s2 =	sld [smem:$0x3FD0];
	(tm) =	ssettm $0x1  }
0x91: {  	s18 =	sld [smem:$0x3FFB];
	_ =	sdelay $0x3  }
0x92: {  	_ =	strace s18  }
0x93: {  	s3 =	sld [smem:$0x3FFC];
	_ =	sdelay $0x3  }
0x94: {  	_ =	strace s3  }
0x95: {  	s3 =	sld [smem:$0x3FFD];
	_ =	sdelay $0x3  }
0x96: {  	_ =	strace s3  }
0x97: {  	_ =	strace $0x8FFFFFFF  }
0x98: {  	s19 =	sld [smem:$0x3FDB];
	_ =	sdelay $0x1  }
0x99: {  	s4 =	simm.s32 $_scs_section_size  }
0x9a: {  	s5 =	simm.s32 $_size__tile_overlayer_lowered;
	s6 =	simm.s32 $_tile_overlayer_lowered  }
0x9b: {  	s22 =	simm.s32 $0x1BFF;
	s21 =	sshll.u32 s6, $0x1;
	s3 =	sadd.s32 s4, s19  }
0x9c: {  	s7 =	simm.s32 $0x0;
	s20 =	sshll.u32 s5, $0x1;
	s5 =	sadd.s32 s21, s3  }
0x9d: {  	[timem:s7], [sflag:s22] =	dma.local [hbm:s5], s20  }
0x9e: {  	_ =	swait.ge [sflag:s22], s20  }
0x9f: {  	s4 =	ssub.s32 $0x0, s20;
	[sflag:s22] =	ssyncset.done $0x0  }
0xa0: {  	[sflag:s22] =	ssyncadd.s32 s4;
	_ =	sdelay $0x1  }
0xa1: {  	s23 =	simm.s32 $0x1B8B  }
0xa2: {  	_ =	swait.ge [sflag:s23], $0x1  }
0xa3: {  	[sflag:s23] =	ssyncset.done $0x0  }
0xa4: {  	s25 =	simm.s32 $0x1B8E;
	s24 =	sld [smem:$0x3FFE];
	[sflag:s23] =	ssyncadd.s32 $0xFFFFFFFF  }
0xa5: {  	s26 =	simm.s32 $execute0_lowered;
	[smem:$0x3FD2] =	sst s25  }
0xa6: {  	s5 =	sshll.u32 s26, $0x1;
	_ =	strace $0x8000004C;
	[dreg:$0x1] =	wrdreg $0xFFFFFFFF  }
0xa7: {  	s28 =	simm.s32 $_size_execute0_lowered;
	s3 =	sadd.s32 s3, s5;
	[dreg:$0x0] =	wrdreg $0x0  }
0xa8: {  	s5 =	sshll.u32 s28, $0x1;
	[dreg:$0x2] =	wrdreg s3  }
0xa9: {  	[dreg:$0x3] =	wrdreg s5  }
0xaa: {  	[dreg:$0x4] =	wrdreg $0xC0  }
0xab: {  	_ =	task [dreg:s7], $0x5FFFF  }
0xac: {  	[dreg:$0x1] =	wrdreg $0xFFFFFFFF  }
0xad: {  	[dreg:$0x0] =	wrdreg $0x60  }
0xae: {  	[dreg:$0x2] =	wrdreg s2  }
0xaf: {  	[dreg:$0x3] =	wrdreg s24  }
0xb0: {  	[dreg:$0x4] =	wrdreg $0x9  }
0xb1: {  	_ =	task.clear_ibuf [dreg:s7], $0x5FFFF;
	_ =	strace $0x9000004C  }
0xb2: {  	s29 =	simm.s32 $0x9;
	_ =	strace $0x8000004E  }
0xb3: {  	_ =	swait.ge [sflag:s29], $0x1  }
0xb4: {  	[sflag:s29] =	ssyncadd.s32 $0xFFFFFFFF  }
0xb5: {  	_ =	strace $0x9000004E  }
0xb6: {  	_ =	sfence  }
0xb7: {  	s30 =	sld [smem:$0x0];
	_ =	sdelay $0x2  }
0xb8: {  	s31 =	sshll.u32 s1, $0xD;
	s1 =	sshrl.u32 s1, $0x2  }
0xb9: {  	s3 =	sand.u32 $0x4000, s31;
	s1 =	sadd.s32 s1, s30  }
0xba: {  	s0 =	sor.u32 s3, s0;
	s1 =	sshll.u32 s1, $0x11  }
0xbb: {  	s0 =	sor.u32 s1, s0  }
0xbc: {  	s0 =	sadd.s32 $0x8F2B, s0  }
0xbd: {  	[sflag:s0] =	ssyncadd.remote.s32 $0x1  }
0xbe: {  	_ =	sfence.sel $0xFFFF  }
0xbf: {  	[dreg:$0x0] =	wrdreg $0xFFFFFFFF;
	(pc) =	sbr.abs _section_cstart, $3  }
0xc0: {  	[dreg:$0x1] =	wrdreg $0xFFFFFFFF  }
0xc1: {  	_ =	task.clear_ibuf [dreg:s7], $0x2FFFF;
	_ =	strace $0x9FFFFFFF  }
0xc2: {  	(tm) =	ssettm $0x7FFFFFFF  }
0xc3: {  	_ =	shalt  }
tec
execute0_lowered:
.L_overlay_start_1:
0x0: {  	(tag) =	ssettag $0x1  }
0x1: {  	s2 =	rddreg [dreg:$0x0]  }
0x2: {  	s4 =	rddreg [dreg:$0x1]  }
0x3: {  	s0 =	rddreg [dreg:$0x2]  }
0x4: {  	s5 =	srdreg.scid;
	s1 =	stileid.u32;
	s3 =	simm.s32 $0x0  }
0x5: {  	s12 =	simm.s32 $0x4000;
	s13 =	simm.s32 $0x80;
	s14 =	simm.s32 $0x6800  }
0x6: {  	s15 =	simm.s32 $0x1;
	s16 =	simm.s32 $0x3;
	s17 =	simm.s32 $0x100  }
0x7: {  	s18 =	simm.s32 $0x2;
	s19 =	simm.s32 $0x4;
	s20 =	simm.s32 $0x0  }
0x8: {  	s5 =	sand.u32 $0x1, s5;
	s6 =	sshll.u32 s1, $0x1;
	[smem:$0x7FF] =	sst s3  }
0x9: {  	s10 =	sadd.s32 $0x12800, s4;
	s11 =	smul.u32 $0x4E200, s1;
	s6 =	sor.u32 s5, s6  }
0xa: {  	_ =	strace $0x8000004D;
	s8 =	ssub.s32 $0x2, s5;
	s9 =	smul.u32 $0x138800, s6  }
0xb: {  	s7 =	sshll.u32 s6, $0xB;
	s29 =	sshrl.u32 s8, $0x1;
	s6 =	smul.u32 $0x27100, s6  }
0xc: {  	s31 =	smul.u32 $0x27100, s5;
	s7 =	sadd.s32 s7, s4;
	s8 =	ssub.s32 s8, s29  }
0xd: {  	s9 =	sshrl.u32 s9, $0x3;
	s4 =	sadd.s32 $0x2800, s7;
	s6 =	sadd.s32 s10, s6  }
0xe: {  	s7 =	smax.u32 s8, $0x1;
	s30 =	sadd.s32 s10, s9;
	s10 =	sadd.s32 s11, s10  }
0xf: {  	s8 =	sadd.s32 $0x500, s6;
	s11 =	simm.s32 $0x50;
	s9 =	sadd.s32 s31, s10  }
0x10: {  	s5 =	sadd.s32 $0x26C00, s30;
	s10 =	simm.s32 $0x5;
	s9 =	sadd.s32 $0xA00, s9  }
.LBB2_1:
0x11: {  	[tilespmem:s3], [sflag:$0x5] =	stream.linear.gather [hbm4b:s4+s3], $0x3E80, $0x38;
	[tilespmem:$0x9000] =	vst v63  }
0x12: {  	_ =	swait.ge [sflag:s10], $0x3E80  }
0x13: {  	[sflag:s10] =	ssyncset.done $0x0  }
0x14: {  	[sflag:s10] =	ssyncadd.s32 $0xFFFFC180  }
0x15: {  	[tilespmem:s12], [sflag:$0x1] =	stream.indirect.gather [hbm4b:s2+s11], $0x80, s3, s11, $0xb8;
	[tilespmem:$0x9000] =	vst v63  }
0x16: {  	_ = 	snop  }
0x17: {  	[tilespmem:s14], [sflag:$0x2] =	stream.indirect.gather [hbm4b:s2+s11], $0x80, s13, s11, $0xb8;
	[tilespmem:$0x9000] =	vst v63  }
0x18: {  	_ =	swait.ge [sflag:s15], $0x2800  }
0x19: {  	[sflag:s15] =	ssyncset.done $0x0  }
0x1a: {  	[sflag:s15] =	ssyncadd.s32 $0xFFFFD800  }
0x1b: {  	[hbm4b:s6+s3] =	stream.linear.scatter [tilespmem:s12], [sflag:$0x3], $0x2800, $0x38;
	[tilespmem:$0x9000] =	vst v63  }
0x1c: {  	_ =	swait.ge [sflag:s16], $0x2800  }
0x1d: {  	[sflag:s16] =	ssyncset.done $0x0  }
0x1e: {  	[sflag:s16] =	ssyncadd.s32 $0xFFFFD800  }
0x1f: {  	[tilespmem:s12], [sflag:$0x1] =	stream.indirect.gather [hbm4b:s2+s11], $0x80, s17, s11, $0xb8;
	[tilespmem:$0x9000] =	vst v63  }
0x20: {  	_ =	swait.ge [sflag:s18], $0x2800  }
0x21: {  	[sflag:s18] =	ssyncset.done $0x0  }
0x22: {  	[sflag:s18] =	ssyncadd.s32 $0xFFFFD800  }
0x23: {  	[hbm4b:s8+s3] =	stream.linear.scatter [tilespmem:s14], [sflag:$0x4], $0x2800, $0x38;
	[tilespmem:$0x9000] =	vst v63  }
0x24: {  	_ =	swait.ge [sflag:s19], $0x2800  }
0x25: {  	[sflag:s19] =	ssyncset.done $0x0  }
0x26: {  	s21 =	simm.s32 $0x180;
	[sflag:s19] =	ssyncadd.s32 $0xFFFFD800  }
0x27: {  	[tilespmem:s14], [sflag:$0x2] =	stream.indirect.gather [hbm4b:s2+s11], $0x80, s21, s11, $0xb8;
	[tilespmem:$0x9000] =	vst v63  }
0x28: {  	_ =	swait.ge [sflag:s15], $0x2800  }
0x29: {  	[sflag:s15] =	ssyncset.done $0x0  }
0x2a: {  	[sflag:s15] =	ssyncadd.s32 $0xFFFFD800  }
0x2b: {  	[hbm4b:s9+s3] =	stream.linear.scatter [tilespmem:s12], [sflag:$0x3], $0x2800, $0x38;
	[tilespmem:$0x9000] =	vst v63  }
0x2c: {  	_ =	swait.ge [sflag:s16], $0x2800  }
0x2d: {  	[sflag:s16] =	ssyncset.done $0x0  }
0x2e: {  	s31 =	simm.s32 $0x200;
	[sflag:s16] =	ssyncadd.s32 $0xFFFFD800  }
0x2f: {  	[tilespmem:s12], [sflag:$0x1] =	stream.indirect.gather [hbm4b:s2+s11], $0x80, s31, s11, $0xb8;
	[tilespmem:$0x9000] =	vst v63  }
0x30: {  	_ =	swait.ge [sflag:s18], $0x2800  }
0x31: {  	s23 =	sadd.s32 $0x500, s9;
	[sflag:s18] =	ssyncset.done $0x0  }
0x32: {  	s22 =	sadd.s32 $0xA00, s9;
	s21 =	simm.s32 $0x400;
	[sflag:s18] =	ssyncadd.s32 $0xFFFFD800  }
.LBB2_2:
0x33: {  	[hbm4b:s23+s3] =	stream.linear.scatter [tilespmem:s14], [sflag:$0x4], $0x2800, $0x38;
	[tilespmem:$0x9000] =	vst v63  }
0x34: {  	s23 =	smov.u32 s21  }
0x35: {  	p0 =	sne.s32 s21, $0xF000;
	s21 =	sadd.s32 $0x400, s21;
	_ =	swait.ge [sflag:s19], $0x2800  }
0x36: {  	s23 =	sshra.s32 s23, $0x2;
	[sflag:s19] =	ssyncset.done $0x0  }
0x37: {  	s24 =	sadd.s32 $0x180, s23;
	[sflag:s19] =	ssyncadd.s32 $0xFFFFD800  }
0x38: {  	[tilespmem:s14], [sflag:$0x2] =	stream.indirect.gather [hbm4b:s2+s11], $0x80, s24, s11, $0xb8;
	[tilespmem:$0x9000] =	vst v63  }
0x39: {  	_ =	swait.ge [sflag:s15], $0x2800  }
0x3a: {  	[sflag:s15] =	ssyncset.done $0x0  }
0x3b: {  	[sflag:s15] =	ssyncadd.s32 $0xFFFFD800  }
0x3c: {  	[hbm4b:s22+s3] =	stream.linear.scatter [tilespmem:s12], [sflag:$0x3], $0x2800, $0x38;
	[tilespmem:$0x9000] =	vst v63  }
0x3d: {  	_ =	swait.ge [sflag:s16], $0x2800  }
0x3e: {  	[sflag:s16] =	ssyncset.done $0x0  }
.Ltmp0:
0x3f: {  	s23 =	sadd.s32 $0x200, s23;
	[sflag:s16] =	ssyncadd.s32 $0xFFFFD800;
	(pc) =	sbr.rel @p0 .LBB2_2-.Ltmp0, $4  }
0x40: {  	[tilespmem:s12], [sflag:$0x1] =	stream.indirect.gather [hbm4b:s2+s11], $0x80, s23, s11, $0xb8;
	[tilespmem:$0x9000] =	vst v63  }
0x41: {  	_ =	swait.ge [sflag:s18], $0x2800  }
0x42: {  	[sflag:s18] =	ssyncset.done $0x0  }
0x43: {  	s23 =	sadd.s32 $0x500, s22;
	s22 =	sadd.s32 $0xA00, s22;
	[sflag:s18] =	ssyncadd.s32 $0xFFFFD800  }
0x44: {  	[hbm4b:s23+s3] =	stream.linear.scatter [tilespmem:s14], [sflag:$0x4], $0x2800, $0x38;
	[tilespmem:$0x9000] =	vst v63  }
0x45: {  	_ =	swait.ge [sflag:s19], $0x2800  }
0x46: {  	[sflag:s19] =	ssyncset.done $0x0  }
0x47: {  	[sflag:s19] =	ssyncadd.s32 $0xFFFFD800  }
0x48: {  	s20 =	sadd.s32 $0x1, s20;
	_ =	swait.ge [sflag:s15], $0x2800  }
0x49: {  	p0 =	sne.s32 s20, s7;
	[sflag:s15] =	ssyncset.done $0x0  }
.Ltmp1:
0x4a: {  	[sflag:s15] =	ssyncadd.s32 $0xFFFFD800;
	(pc) =	sbr.rel @p0 .LBB2_1-.Ltmp1, $4  }
0x4b: {  	[hbm4b:s5+s3] =	stream.linear.scatter [tilespmem:s12], [sflag:$0x3], $0x2800, $0x38;
	[tilespmem:$0x9000] =	vst v63  }
0x4c: {  	_ =	swait.ge [sflag:s16], $0x2800  }
0x4d: {  	[sflag:s16] =	ssyncset.done $0x0  }
0x4e: {  	[sflag:s16] =	ssyncadd.s32 $0xFFFFD800  }
0x4f: {  	_ =	sfence.sel $0x180000  }
0x50: {  	[bflag:$0x0] =	sbarrier.arrive $0xFFFF  }
0x51: {  	p0 =	sne.s32 s1, $0x0;
	_ =	strace $0x9000004D  }
0x52: {  	s0 =	sadd.s32 @!p0 $0x100000, s0;
	[bflag:$0x2] =	sbarrier.arrive $0xFFFF  }
0x53: {  	[sflag:s0] =	ssyncadd.tile.s32 @!p0 $0x1;
	_ =	shalt  }
.Lfunc_end2:
_tile_overlayer_lowered:
.L_overlay_start_2:
0x54: {  	(tag) =	ssettag $0x2  }
0x55: {  	s0 =	rddreg [dreg:$0x0];
	s2 =	stileid.u32  }
0x56: {  	s1 =	rddreg [dreg:$0x1];
	p0 =	sne.s32 s2, $0x0  }
0x57: {  	s3 =	rddreg [dreg:$0x2];
	[bflag:$0x3] =	sbarrier.arrive $0xFFFF;
	s2 =	simm.s32 @!p0 $0x1C05  }
0x58: {  	[timem:s3], [sflag:s2] =	dma.local @!p0 [hbm:s0], s1  }
0x59: {  	s0 =	simm.s32 @!p0 $0x5  }
0x5a: {  	_ =	swait.ge @!p0 [sflag:s0], s1  }
0x5b: {  	s1 =	ssub.s32 @!p0 $0x0, s1;
	[sflag:s0] =	ssyncset.done @!p0 $0x0  }
0x5c: {  	[sflag:s0] =	ssyncadd.s32 @!p0 s1  }
0x5d: {  	[bflag:$0x3] =	sbarrier.arrive $0xFFFF  }
0x5e: {  	_ =	shalt  }

// kernel: kernel.8.cloned.1.call-start
scs
__scs_entry_jumppad:
0x0: {  	(pc) =	sbr.rel $0x88, $3  }
0x1: {  	(tag) =	ssettag $0x0;
	lr =	simm.s32 $0x1  }
0x2: {  	[smem:$0x3F99] =	sst lr;
	_ =	strace $0xD0000000  }
0x3: {  	_ = 	snop  }
0x4: {  	_ = 	snop  }
0x5: {  	_ = 	snop  }
0x6: {  	_ = 	snop  }
0x7: {  	_ = 	snop  }
__scs_overlays_trampoline_lowered:
0x8: {  	[smem:$0x3FA8] =	sst s0  }
0x9: {  	[smem:$0x3FA9] =	sst s1  }
0xa: {  	[smem:$0x3FAA] =	sst s2  }
0xb: {  	[smem:$0x3FAB] =	sst s3  }
0xc: {  	[smem:$0x3FAC] =	sst s4  }
0xd: {  	[smem:$0x3FAD] =	sst s5  }
0xe: {  	[smem:$0x3FAE] =	sst s6  }
0xf: {  	[smem:$0x3FAF] =	sst s7  }
0x10: {  	[smem:$0x3FB0] =	sst s8  }
0x11: {  	[smem:$0x3FB1] =	sst s9;
	s0 =	simm.s32 @!p0 $0x0  }
0x12: {  	s1 =	sld [smem:$0x3F97];
	s0 =	simm.s32 @p0 $0x1  }
0x13: {  	[smem:$0x3FB2] =	sst s0;
	s0 =	simm.s32 @!p1 $0x0  }
0x14: {  	s2 =	sld [smem:$0x3F96];
	s0 =	simm.s32 @p1 $0x1  }
0x15: {  	[smem:$0x3FB3] =	sst s0;
	s0 =	simm.s32 @!p2 $0x0  }
0x16: {  	s3 =	sld [smem:$0x3FDB];
	s0 =	simm.s32 @p2 $0x1  }
0x17: {  	s4 =	simm.s32 $0x1BF5;
	[smem:$0x3FB5] =	sst s0  }
0x18: {  	s0 =	sld [smem:$0x3F98];
	_ =	swait.ge [sflag:s4], $0x0  }
0x19: {  	s7 =	sld [smem:$0x3F99]  }
0x1a: {  	s8 =	sadd.s32 $0xFFFFE003, lr  }
0x1b: {  	s9 =	sadd.s32 $0xFFFFFEF7, lr;
	s5 =	simm.s32 $0xFFFFFFFF;
	p2 =	slt.u32 s8, $0xFFFFF086  }
0x1c: {  	p1 =	slt.u32 s9, $0xF7A;
	s5 =	simm.s32 @!p2 $0x0  }
0x1d: {  	s5 =	simm.s32 @p1 $0x1;
	p0 =	seq.s32 s7, s2  }
0x1e: {  	s7 =	smul.u32 @!p0 $0xF7A, s2;
	p2 =	seq.s32 @!p0 s5, $0x0  }
0x1f: {  	s9 =	smul.u32 $0xF7A, s1;
	s8 =	simm.s32 @!p0 $0x1BF5;
	p2 =	por !p2, p0  }
0x20: {  	[sflag:s8] =	ssyncset.s32 @!p0 $0xFFFFF086;
	s6 =	sadd.s32 @!p0 s3, s7;
	s7 =	simm.s32 @!p0 $0x108  }
0x21: {  	s3 =	sadd.s32 s3, s9;
	s6 =	sadd.s32 @!p0 $0x88, s6;
	s7 =	simm.s32 @p2 $0x1082  }
0x22: {  	[simem:s7], [sflag:s8] =	dma.local @!p0 [hbm:s6], $0xF7A  }
0x23: {  	s9 =	sor.u32 $0xD0000000, s2;
	s6 =	simm.s32 $0x108;
	_ =	swait.ge @!p0 [sflag:s8], $0x0  }
0x24: {  	s3 =	sadd.s32 $0x88, s3;
	s6 =	simm.s32 @!p1 $0x1082;
	[sflag:s4] =	ssyncset.s32 $0xFFFFF086  }
0x25: {  	[simem:s6], [sflag:s4] =	dma.local [hbm:s3], $0xF7A  }
0x26: {  	[smem:$0x3F99] =	sst s1;
	(tag) =	ssettag s2;
	_ =	strace s9  }
0x27: {  	s1 =	sld [smem:$0x3FA9]  }
0x28: {  	s2 =	sld [smem:$0x3FAA]  }
0x29: {  	s4 =	sld [smem:$0x3FAC]  }
0x2a: {  	p0 =	seq.s32 s5, $0x0;
	s5 =	sld [smem:$0x3FAD]  }
0x2b: {  	s6 =	sld [smem:$0x3FAE]  }
0x2c: {  	s7 =	sld [smem:$0x3FAF]  }
0x2d: {  	s3 =	simm.s32 $0x108;
	s8 =	sld [smem:$0x3FB0]  }
0x2e: {  	s3 =	simm.s32 @!p0 $0x1082;
	s9 =	sld [smem:$0x3FB1]  }
0x2f: {  	lr =	sadd.s32 s0, s3;
	s0 =	sld [smem:$0x3FA8]  }
0x30: {  	s3 =	sld [smem:$0x3FAB]  }
0x31: {  	[smem:$0x3FB4] =	sst s10  }
0x32: {  	s10 =	sld [smem:$0x3FB2];
	_ =	sdelay $0x3  }
0x33: {  	p0 =	seq.s32 s10, $0x1;
	s10 =	sld [smem:$0x3FB4];
	_ =	sdelay $0x3  }
0x34: {  	[smem:$0x3FB4] =	sst s10  }
0x35: {  	s10 =	sld [smem:$0x3FB3];
	_ =	sdelay $0x3  }
0x36: {  	p1 =	seq.s32 s10, $0x1;
	s10 =	sld [smem:$0x3FB4];
	_ =	sdelay $0x3  }
0x37: {  	[smem:$0x3FB4] =	sst s10  }
0x38: {  	s10 =	sld [smem:$0x3FB5]  }
0x39: {  	_ = 	snop;
	(pc) =	sbr.ind lr, $3  }
0x3a: {  	_ = 	snop  }
0x3b: {  	_ = 	snop  }
0x3c: {  	p2 =	seq.s32 s10, $0x1;
	s10 =	sld [smem:$0x3FB4]  }
0x3d: {  	_ =	shalt  }
0x3e: {  	_ =	shalt  }
0x3f: {  	_ =	shalt  }
0x40: {  	_ =	shalt  }
0x41: {  	_ =	shalt  }
0x42: {  	_ =	shalt  }
0x43: {  	_ =	shalt  }
0x44: {  	_ =	shalt  }
0x45: {  	_ =	shalt  }
0x46: {  	_ =	shalt  }
0x47: {  	_ =	shalt  }
0x48: {  	_ =	shalt  }
0x49: {  	_ =	shalt  }
0x4a: {  	_ =	shalt  }
0x4b: {  	_ =	shalt  }
0x4c: {  	_ =	shalt  }
0x4d: {  	_ =	shalt  }
0x4e: {  	_ =	shalt  }
0x4f: {  	_ =	shalt  }
0x50: {  	_ =	shalt  }
0x51: {  	_ =	shalt  }
0x52: {  	_ =	shalt  }
0x53: {  	_ =	shalt  }
0x54: {  	_ =	shalt  }
0x55: {  	_ =	shalt  }
0x56: {  	_ =	shalt  }
0x57: {  	_ =	shalt  }
0x58: {  	_ =	shalt  }
0x59: {  	_ =	shalt  }
0x5a: {  	_ =	shalt  }
0x5b: {  	_ =	shalt  }
0x5c: {  	_ =	shalt  }
0x5d: {  	_ =	shalt  }
0x5e: {  	_ =	shalt  }
0x5f: {  	_ =	shalt  }
0x60: {  	_ =	shalt  }
0x61: {  	_ =	shalt  }
0x62: {  	_ =	shalt  }
0x63: {  	_ =	shalt  }
0x64: {  	_ =	shalt  }
0x65: {  	_ =	shalt  }
0x66: {  	_ =	shalt  }
0x67: {  	_ =	shalt  }
0x68: {  	_ =	shalt  }
0x69: {  	_ =	shalt  }
0x6a: {  	_ =	shalt  }
0x6b: {  	_ =	shalt  }
0x6c: {  	_ =	shalt  }
0x6d: {  	_ =	shalt  }
0x6e: {  	_ =	shalt  }
0x6f: {  	_ =	shalt  }
0x70: {  	_ =	shalt  }
0x71: {  	_ =	shalt  }
0x72: {  	_ =	shalt  }
0x73: {  	_ =	shalt  }
0x74: {  	_ =	shalt  }
0x75: {  	_ =	shalt  }
0x76: {  	_ =	shalt  }
0x77: {  	_ =	shalt  }
0x78: {  	_ =	shalt  }
0x79: {  	_ =	shalt  }
0x7a: {  	_ =	shalt  }
0x7b: {  	_ =	shalt  }
0x7c: {  	_ =	shalt  }
0x7d: {  	_ =	shalt  }
0x7e: {  	_ =	shalt  }
0x7f: {  	_ =	shalt  }
0x80: {  	_ =	shalt  }
0x81: {  	_ =	shalt  }
0x82: {  	_ =	shalt  }
0x83: {  	_ =	shalt  }
0x84: {  	_ =	shalt  }
0x85: {  	_ =	shalt  }
0x86: {  	_ =	shalt  }
0x87: {  	_ =	shalt  }
.Lfunc_end0:
.L_simem_size_0:
called_computation_lowered:
.L_overlay_start_0:
0x88: {  	s2 =	sld [smem:$0x3FD9]  }
0x89: {  	s3 =	sld [smem:$0x3FFE];
	_ =	sdelay $0x1  }
0x8a: {  	s1 =	srdreg.scid  }
0x8b: {  	s0 =	sand.u32 $0x1, s1  }
0x8c: {  	s17 =	sshll.u32 s0, $0xA;
	s2 =	sadd.s32 s3, s2  }
0x8d: {  	s2 =	sadd.s32 s2, s17  }
0x8e: {  	[smem:$0x3FC0] =	sst s2  }
0x8f: {  	_ = 	snop  }
0x90: {  	s2 =	sld [smem:$0x3FC9];
	(tm) =	ssettm $0x1  }
0x91: {  	s18 =	sld [smem:$0x3FFB];
	_ =	sdelay $0x3  }
0x92: {  	_ =	strace s18  }
0x93: {  	s3 =	sld [smem:$0x3FFC];
	_ =	sdelay $0x3  }
0x94: {  	_ =	strace s3  }
0x95: {  	s3 =	sld [smem:$0x3FFD];
	_ =	sdelay $0x3  }
0x96: {  	_ =	strace s3  }
0x97: {  	_ =	strace $0x8FFFFFFF  }
0x98: {  	s19 =	sld [smem:$0x3FDB];
	_ =	sdelay $0x1  }
0x99: {  	s4 =	simm.s32 $_scs_section_size  }
0x9a: {  	s5 =	simm.s32 $_size__tile_overlayer_lowered;
	s6 =	simm.s32 $_tile_overlayer_lowered  }
0x9b: {  	s22 =	simm.s32 $0x1BFF;
	s21 =	sshll.u32 s6, $0x1;
	s3 =	sadd.s32 s4, s19  }
0x9c: {  	s7 =	simm.s32 $0x0;
	s20 =	sshll.u32 s5, $0x1;
	s5 =	sadd.s32 s21, s3  }
0x9d: {  	[timem:s7], [sflag:s22] =	dma.local [hbm:s5], s20  }
0x9e: {  	_ =	swait.ge [sflag:s22], s20  }
0x9f: {  	s4 =	ssub.s32 $0x0, s20;
	[sflag:s22] =	ssyncset.done $0x0  }
0xa0: {  	[sflag:s22] =	ssyncadd.s32 s4;
	_ =	sdelay $0x1  }
0xa1: {  	s23 =	simm.s32 $0x1B8B  }
0xa2: {  	_ =	swait.ge [sflag:s23], $0x1  }
0xa3: {  	[sflag:s23] =	ssyncset.done $0x0  }
0xa4: {  	s25 =	simm.s32 $0x1B8E;
	s24 =	sld [smem:$0x3FFE];
	[sflag:s23] =	ssyncadd.s32 $0xFFFFFFFF  }
0xa5: {  	s26 =	simm.s32 $execute0_lowered;
	[smem:$0x3FD2] =	sst s25  }
0xa6: {  	s5 =	sshll.u32 s26, $0x1;
	_ =	strace $0x80000046;
	[dreg:$0x1] =	wrdreg $0xFFFFFFFF  }
0xa7: {  	s28 =	simm.s32 $_size_execute0_lowered;
	s3 =	sadd.s32 s3, s5;
	[dreg:$0x0] =	wrdreg $0x0  }
0xa8: {  	s5 =	sshll.u32 s28, $0x1;
	[dreg:$0x2] =	wrdreg s3  }
0xa9: {  	[dreg:$0x3] =	wrdreg s5  }
0xaa: {  	[dreg:$0x4] =	wrdreg $0xC0  }
0xab: {  	_ =	task [dreg:s7], $0x5FFFF  }
0xac: {  	[dreg:$0x1] =	wrdreg $0xFFFFFFFF  }
0xad: {  	[dreg:$0x0] =	wrdreg $0x60  }
0xae: {  	[dreg:$0x2] =	wrdreg s2  }
0xaf: {  	[dreg:$0x3] =	wrdreg s24  }
0xb0: {  	[dreg:$0x4] =	wrdreg $0x9  }
0xb1: {  	_ =	task.clear_ibuf [dreg:s7], $0x5FFFF;
	_ =	strace $0x90000046  }
0xb2: {  	s29 =	simm.s32 $0x9;
	_ =	strace $0x80000048  }
0xb3: {  	_ =	swait.ge [sflag:s29], $0x1  }
0xb4: {  	[sflag:s29] =	ssyncadd.s32 $0xFFFFFFFF  }
0xb5: {  	_ =	strace $0x90000048  }
0xb6: {  	_ =	sfence  }
0xb7: {  	s30 =	sld [smem:$0x0];
	_ =	sdelay $0x2  }
0xb8: {  	s31 =	sshll.u32 s1, $0xD;
	s1 =	sshrl.u32 s1, $0x2  }
0xb9: {  	s3 =	sand.u32 $0x4000, s31;
	s1 =	sadd.s32 s1, s30  }
0xba: {  	s0 =	sor.u32 s3, s0;
	s1 =	sshll.u32 s1, $0x11  }
0xbb: {  	s0 =	sor.u32 s1, s0  }
0xbc: {  	s0 =	sadd.s32 $0x8F2B, s0  }
0xbd: {  	[sflag:s0] =	ssyncadd.remote.s32 $0x1  }
0xbe: {  	_ =	sfence.sel $0xFFFF  }
0xbf: {  	[dreg:$0x0] =	wrdreg $0xFFFFFFFF;
	(pc) =	sbr.abs _section_cstart, $3  }
0xc0: {  	[dreg:$0x1] =	wrdreg $0xFFFFFFFF  }
0xc1: {  	_ =	task.clear_ibuf [dreg:s7], $0x2FFFF;
	_ =	strace $0x9FFFFFFF  }
0xc2: {  	(tm) =	ssettm $0x7FFFFFFF  }
0xc3: {  	_ =	shalt  }
tec
execute0_lowered:
.L_overlay_start_1:
0x0: {  	(tag) =	ssettag $0x1  }
0x1: {  	s2 =	rddreg [dreg:$0x0]  }
0x2: {  	s4 =	rddreg [dreg:$0x1]  }
0x3: {  	s0 =	rddreg [dreg:$0x2]  }
0x4: {  	s5 =	srdreg.scid;
	s1 =	stileid.u32;
	s3 =	simm.s32 $0x0  }
0x5: {  	s12 =	simm.s32 $0x4000;
	s13 =	simm.s32 $0x80;
	s14 =	simm.s32 $0x6800  }
0x6: {  	s15 =	simm.s32 $0x1;
	s16 =	simm.s32 $0x3;
	s17 =	simm.s32 $0x100  }
0x7: {  	s18 =	simm.s32 $0x2;
	s19 =	simm.s32 $0x4;
	s20 =	simm.s32 $0x0  }
0x8: {  	s5 =	sand.u32 $0x1, s5;
	s6 =	sshll.u32 s1, $0x1;
	[smem:$0x7FF] =	sst s3  }
0x9: {  	s10 =	sadd.s32 $0x12800, s4;
	s11 =	smul.u32 $0x4E200, s1;
	s6 =	sor.u32 s5, s6  }
0xa: {  	_ =	strace $0x80000047;
	s8 =	ssub.s32 $0x2, s5;
	s9 =	smul.u32 $0x138800, s6  }
0xb: {  	s7 =	sshll.u32 s6, $0xB;
	s29 =	sshrl.u32 s8, $0x1;
	s6 =	smul.u32 $0x27100, s6  }
0xc: {  	s31 =	smul.u32 $0x27100, s5;
	s7 =	sadd.s32 s7, s4;
	s8 =	ssub.s32 s8, s29  }
0xd: {  	s9 =	sshrl.u32 s9, $0x3;
	s4 =	sadd.s32 $0x2800, s7;
	s6 =	sadd.s32 s10, s6  }
0xe: {  	s7 =	smax.u32 s8, $0x1;
	s30 =	sadd.s32 s10, s9;
	s10 =	sadd.s32 s11, s10  }
0xf: {  	s8 =	sadd.s32 $0x500, s6;
	s11 =	simm.s32 $0x50;
	s9 =	sadd.s32 s31, s10  }
0x10: {  	s5 =	sadd.s32 $0x26C00, s30;
	s10 =	simm.s32 $0x5;
	s9 =	sadd.s32 $0xA00, s9  }
.LBB2_1:
0x11: {  	[tilespmem:s3], [sflag:$0x5] =	stream.linear.gather [hbm4b:s4+s3], $0x3E80, $0x38;
	[tilespmem:$0x9000] =	vst v63  }
0x12: {  	_ =	swait.ge [sflag:s10], $0x3E80  }
0x13: {  	[sflag:s10] =	ssyncset.done $0x0  }
0x14: {  	[sflag:s10] =	ssyncadd.s32 $0xFFFFC180  }
0x15: {  	[tilespmem:s12], [sflag:$0x1] =	stream.indirect.gather [hbm4b:s2+s11], $0x80, s3, s11, $0xb8;
	[tilespmem:$0x9000] =	vst v63  }
0x16: {  	_ = 	snop  }
0x17: {  	[tilespmem:s14], [sflag:$0x2] =	stream.indirect.gather [hbm4b:s2+s11], $0x80, s13, s11, $0xb8;
	[tilespmem:$0x9000] =	vst v63  }
0x18: {  	_ =	swait.ge [sflag:s15], $0x2800  }
0x19: {  	[sflag:s15] =	ssyncset.done $0x0  }
0x1a: {  	[sflag:s15] =	ssyncadd.s32 $0xFFFFD800  }
0x1b: {  	[hbm4b:s6+s3] =	stream.linear.scatter [tilespmem:s12], [sflag:$0x3], $0x2800, $0x38;
	[tilespmem:$0x9000] =	vst v63  }
0x1c: {  	_ =	swait.ge [sflag:s16], $0x2800  }
0x1d: {  	[sflag:s16] =	ssyncset.done $0x0  }
0x1e: {  	[sflag:s16] =	ssyncadd.s32 $0xFFFFD800  }
0x1f: {  	[tilespmem:s12], [sflag:$0x1] =	stream.indirect.gather [hbm4b:s2+s11], $0x80, s17, s11, $0xb8;
	[tilespmem:$0x9000] =	vst v63  }
0x20: {  	_ =	swait.ge [sflag:s18], $0x2800  }
0x21: {  	[sflag:s18] =	ssyncset.done $0x0  }
0x22: {  	[sflag:s18] =	ssyncadd.s32 $0xFFFFD800  }
0x23: {  	[hbm4b:s8+s3] =	stream.linear.scatter [tilespmem:s14], [sflag:$0x4], $0x2800, $0x38;
	[tilespmem:$0x9000] =	vst v63  }
0x24: {  	_ =	swait.ge [sflag:s19], $0x2800  }
0x25: {  	[sflag:s19] =	ssyncset.done $0x0  }
0x26: {  	s21 =	simm.s32 $0x180;
	[sflag:s19] =	ssyncadd.s32 $0xFFFFD800  }
0x27: {  	[tilespmem:s14], [sflag:$0x2] =	stream.indirect.gather [hbm4b:s2+s11], $0x80, s21, s11, $0xb8;
	[tilespmem:$0x9000] =	vst v63  }
0x28: {  	_ =	swait.ge [sflag:s15], $0x2800  }
0x29: {  	[sflag:s15] =	ssyncset.done $0x0  }
0x2a: {  	[sflag:s15] =	ssyncadd.s32 $0xFFFFD800  }
0x2b: {  	[hbm4b:s9+s3] =	stream.linear.scatter [tilespmem:s12], [sflag:$0x3], $0x2800, $0x38;
	[tilespmem:$0x9000] =	vst v63  }
0x2c: {  	_ =	swait.ge [sflag:s16], $0x2800  }
0x2d: {  	[sflag:s16] =	ssyncset.done $0x0  }
0x2e: {  	s31 =	simm.s32 $0x200;
	[sflag:s16] =	ssyncadd.s32 $0xFFFFD800  }
0x2f: {  	[tilespmem:s12], [sflag:$0x1] =	stream.indirect.gather [hbm4b:s2+s11], $0x80, s31, s11, $0xb8;
	[tilespmem:$0x9000] =	vst v63  }
0x30: {  	_ =	swait.ge [sflag:s18], $0x2800  }
0x31: {  	s23 =	sadd.s32 $0x500, s9;
	[sflag:s18] =	ssyncset.done $0x0  }
0x32: {  	s22 =	sadd.s32 $0xA00, s9;
	s21 =	simm.s32 $0x400;
	[sflag:s18] =	ssyncadd.s32 $0xFFFFD800  }
.LBB2_2:
0x33: {  	[hbm4b:s23+s3] =	stream.linear.scatter [tilespmem:s14], [sflag:$0x4], $0x2800, $0x38;
	[tilespmem:$0x9000] =	vst v63  }
0x34: {  	s23 =	smov.u32 s21  }
0x35: {  	p0 =	sne.s32 s21, $0xF000;
	s21 =	sadd.s32 $0x400, s21;
	_ =	swait.ge [sflag:s19], $0x2800  }
0x36: {  	s23 =	sshra.s32 s23, $0x2;
	[sflag:s19] =	ssyncset.done $0x0  }
0x37: {  	s24 =	sadd.s32 $0x180, s23;
	[sflag:s19] =	ssyncadd.s32 $0xFFFFD800  }
0x38: {  	[tilespmem:s14], [sflag:$0x2] =	stream.indirect.gather [hbm4b:s2+s11], $0x80, s24, s11, $0xb8;
	[tilespmem:$0x9000] =	vst v63  }
0x39: {  	_ =	swait.ge [sflag:s15], $0x2800  }
0x3a: {  	[sflag:s15] =	ssyncset.done $0x0  }
0x3b: {  	[sflag:s15] =	ssyncadd.s32 $0xFFFFD800  }
0x3c: {  	[hbm4b:s22+s3] =	stream.linear.scatter [tilespmem:s12], [sflag:$0x3], $0x2800, $0x38;
	[tilespmem:$0x9000] =	vst v63  }
0x3d: {  	_ =	swait.ge [sflag:s16], $0x2800  }
0x3e: {  	[sflag:s16] =	ssyncset.done $0x0  }
.Ltmp0:
0x3f: {  	s23 =	sadd.s32 $0x200, s23;
	[sflag:s16] =	ssyncadd.s32 $0xFFFFD800;
	(pc) =	sbr.rel @p0 .LBB2_2-.Ltmp0, $4  }
0x40: {  	[tilespmem:s12], [sflag:$0x1] =	stream.indirect.gather [hbm4b:s2+s11], $0x80, s23, s11, $0xb8;
	[tilespmem:$0x9000] =	vst v63  }
0x41: {  	_ =	swait.ge [sflag:s18], $0x2800  }
0x42: {  	[sflag:s18] =	ssyncset.done $0x0  }
0x43: {  	s23 =	sadd.s32 $0x500, s22;
	s22 =	sadd.s32 $0xA00, s22;
	[sflag:s18] =	ssyncadd.s32 $0xFFFFD800  }
0x44: {  	[hbm4b:s23+s3] =	stream.linear.scatter [tilespmem:s14], [sflag:$0x4], $0x2800, $0x38;
	[tilespmem:$0x9000] =	vst v63  }
0x45: {  	_ =	swait.ge [sflag:s19], $0x2800  }
0x46: {  	[sflag:s19] =	ssyncset.done $0x0  }
0x47: {  	[sflag:s19] =	ssyncadd.s32 $0xFFFFD800  }
0x48: {  	s20 =	sadd.s32 $0x1, s20;
	_ =	swait.ge [sflag:s15], $0x2800  }
0x49: {  	p0 =	sne.s32 s20, s7;
	[sflag:s15] =	ssyncset.done $0x0  }
.Ltmp1:
0x4a: {  	[sflag:s15] =	ssyncadd.s32 $0xFFFFD800;
	(pc) =	sbr.rel @p0 .LBB2_1-.Ltmp1, $4  }
0x4b: {  	[hbm4b:s5+s3] =	stream.linear.scatter [tilespmem:s12], [sflag:$0x3], $0x2800, $0x38;
	[tilespmem:$0x9000] =	vst v63  }
0x4c: {  	_ =	swait.ge [sflag:s16], $0x2800  }
0x4d: {  	[sflag:s16] =	ssyncset.done $0x0  }
0x4e: {  	[sflag:s16] =	ssyncadd.s32 $0xFFFFD800  }
0x4f: {  	_ =	sfence.sel $0x180000  }
0x50: {  	[bflag:$0x0] =	sbarrier.arrive $0xFFFF  }
0x51: {  	p0 =	sne.s32 s1, $0x0;
	_ =	strace $0x90000047  }
0x52: {  	s0 =	sadd.s32 @!p0 $0x100000, s0;
	[bflag:$0x2] =	sbarrier.arrive $0xFFFF  }
0x53: {  	[sflag:s0] =	ssyncadd.tile.s32 @!p0 $0x1;
	_ =	shalt  }
.Lfunc_end2:
_tile_overlayer_lowered:
.L_overlay_start_2:
0x54: {  	(tag) =	ssettag $0x2  }
0x55: {  	s0 =	rddreg [dreg:$0x0];
	s2 =	stileid.u32  }
0x56: {  	s1 =	rddreg [dreg:$0x1];
	p0 =	sne.s32 s2, $0x0  }
0x57: {  	s3 =	rddreg [dreg:$0x2];
	[bflag:$0x3] =	sbarrier.arrive $0xFFFF;
	s2 =	simm.s32 @!p0 $0x1C05  }
0x58: {  	[timem:s3], [sflag:s2] =	dma.local @!p0 [hbm:s0], s1  }
0x59: {  	s0 =	simm.s32 @!p0 $0x5  }
0x5a: {  	_ =	swait.ge @!p0 [sflag:s0], s1  }
0x5b: {  	s1 =	ssub.s32 @!p0 $0x0, s1;
	[sflag:s0] =	ssyncset.done @!p0 $0x0  }
0x5c: {  	[sflag:s0] =	ssyncadd.s32 @!p0 s1  }
0x5d: {  	[bflag:$0x3] =	sbarrier.arrive $0xFFFF  }
0x5e: {  	_ =	shalt  }

</sc_bundles>
